<compile_context>
chip_gen: v7x
topology: tpu7x:2x2x1
jax: 0.10.2.dev20260603
libtpu: 0.0.44.dev20260713+nightly
codegen_flags: <defaults>
</compile_context>

<pallas_src>
import jax
import jax.numpy as jnp
from jax import lax
from jax.experimental import pallas as pl
from jax.experimental.pallas import tpu as pltpu
from jax.experimental.pallas import tpu_sc as plsc

NUM_FIELDS = 26
VOCAB = 100000
EMB_DIM = 32
BATCH = 16384

NC = 2
NS = 16
L = 16
NW = NC * NS

R = BATCH * NUM_FIELDS
CHUNK = 128
CPW = R // (NW * CHUNK)
NB = 4
NG = CPW // NB


def _body(inp_hbm, table_hbm, out_hbm, idx_v, bufs, gsem0, gsem1, wsem0, wsem1):
    wid = lax.axis_index("s") * NC + lax.axis_index("c")
    row0 = wid * CPW

    pltpu.sync_copy(inp_hbm.at[pl.ds(row0, CPW)], idx_v)

    @pl.loop(0, CPW)
    def _add_offsets(r):
        for c in range(CHUNK // L):
            base = r * CHUNK + c * L
            field = lax.rem(lax.iota(jnp.int32, L) + base, NUM_FIELDS)
            sl = (r, pl.ds(c * L, L))
            idx_v[sl] = idx_v[sl] * 4 + field * (4 * VOCAB)

    gsems = (gsem0, gsem1)
    wsems = (wsem0, wsem1)

    def fire_gathers(g, s):
        for b in range(NB):
            pltpu.async_copy(
                table_hbm.at[idx_v.at[g * NB + b]],
                bufs.at[pl.ds((s * NB + b) * CHUNK, CHUNK)],
                gsems[s])

    def drain_gathers(s):
        pltpu.make_async_copy(
            out_hbm.at[pl.ds(0, NB * CHUNK)],
            bufs.at[pl.ds(s * NB * CHUNK, NB * CHUNK)],
            gsems[s]).wait()

    def fire_wbs(g, s):
        for b in range(NB):
            dst_row = (row0 + g * NB + b) * CHUNK
            pltpu.async_copy(
                bufs.at[pl.ds((s * NB + b) * CHUNK, CHUNK)],
                out_hbm.at[pl.ds(dst_row, CHUNK)],
                wsems[s])

    def drain_wbs(s):
        pltpu.make_async_copy(
            bufs.at[pl.ds(s * NB * CHUNK, NB * CHUNK)],
            out_hbm.at[pl.ds(0, NB * CHUNK)],
            wsems[s]).wait()

    fire_gathers(0, 0)
    fire_gathers(1, 1)

    @pl.loop(0, NG // 2 - 1)
    def _main(k):
        for s in range(2):
            g = 2 * k + s
            drain_gathers(s)
            fire_wbs(g, s)
            drain_wbs(s)
            fire_gathers(g + 2, s)

    for s in range(2):
        g = NG - 2 + s
        drain_gathers(s)
        fire_wbs(g, s)
        drain_wbs(s)


def _sc_gather():
    mesh = plsc.VectorSubcoreMesh(
        core_axis_name="c", subcore_axis_name="s",
        num_cores=NC, num_subcores=NS)
    return pl.kernel(
        _body,
        out_type=jax.ShapeDtypeStruct((R, EMB_DIM), jnp.float32),
        mesh=mesh,
        scratch_types=[
            pltpu.VMEM((CPW, CHUNK), jnp.int32),
            pltpu.VMEM((2 * NB * CHUNK, EMB_DIM), jnp.float32),
            pltpu.SemaphoreType.DMA,
            pltpu.SemaphoreType.DMA,
            pltpu.SemaphoreType.DMA,
            pltpu.SemaphoreType.DMA,
        ],
        compiler_params=pltpu.CompilerParams(use_tc_tiling_on_sc=False),
    )


def kernel(inputs, tables):
    inp2 = inputs.astype(jnp.int32).reshape(R // CHUNK, CHUNK)
    tables_pad = jnp.pad(tables, ((0, 0), (0, 0), (0, 128 - EMB_DIM)))
    tables_flat = tables_pad.reshape(NUM_FIELDS * 4 * VOCAB, EMB_DIM)
    out = _sc_gather()(inp2, tables_flat)
    return out.reshape(BATCH, NUM_FIELDS * EMB_DIM)

# --- scband reference (transcript-rebuilt; emitter-appended) ---
"""Pipeline reference for scband-embedding-net-37812892074230 (READ-ONLY COPY).

The authoritative reference and input builder live on the scoring server;
editing this copy changes nothing except your own understanding.
"""

import jax, jax.numpy as jnp
import numpy as np

NUM_FIELDS = 26
VOCAB = 100000
EMB_DIM = 32
BATCH = 16384


def setup_inputs(seed: int = 0) -> dict:
    key = jax.random.key(seed)
    k_idx, k_tab = jax.random.split(key)
    inputs = jax.random.randint(k_idx, (BATCH, NUM_FIELDS), 0, VOCAB, dtype=jnp.int64 if jax.config.jax_enable_x64 else jnp.int32).astype(jnp.int32)
    # One embedding table per sparse field; all tables have the same (vocab, dim),
    # so we stack them into a single [NUM_FIELDS, VOCAB, EMB_DIM] parameter.
    tables = jax.random.normal(k_tab, (NUM_FIELDS, VOCAB, EMB_DIM), dtype=jnp.float32)
    return {"inputs": inputs, "tables": tables}


def reference(inputs, tables):
    # Faithful translation of EmbeddingNet.forward:
    #   for each field i: x = inputs[:, i]; out_i = emb_i(x)  (gather)
    #   return concat(outs, dim=1)
    inputs = inputs.astype(jnp.int32)
    outs = []
    for i in range(tables.shape[0]):
        idx = inputs[:, i]
        x = jnp.take(tables[i], idx, axis=0)  # [B, EMB_DIM]
        outs.append(x)
    return jnp.concatenate(outs, axis=1)  # [B, NUM_FIELDS * EMB_DIM]

if __name__ == "__main__":
    import jax
    _d = setup_inputs()
    print(jax.jit(kernel)(*tuple(_d.values())))

</pallas_src>

<mosaic_0001>
#map = affine_map<(d0, d1) -> (0, 0)>
module attributes {stable_mosaic.version = 14 : i64} {
  func.func @_body(%arg0: i32, %arg1: i32, %arg2: memref<3328x128xi32, #tpu.memory_space<hbm>>, %arg3: memref<10400000x32xf32, #tpu.memory_space<hbm>>, %arg4: memref<425984x32xf32, #tpu.memory_space<hbm>>, %arg5: memref<104x128xi32, #tpu.memory_space<vmem>>, %arg6: memref<1024x32xf32, #tpu.memory_space<vmem>>, %arg7: memref<!tpu.dma_semaphore, #tpu.memory_space<semaphore_mem>>, %arg8: memref<!tpu.dma_semaphore, #tpu.memory_space<semaphore_mem>>, %arg9: memref<!tpu.dma_semaphore, #tpu.memory_space<semaphore_mem>>, %arg10: memref<!tpu.dma_semaphore, #tpu.memory_space<semaphore_mem>>) attributes {dimension_semantics = [#tpu.dimension_semantics<core_parallel>, #tpu.dimension_semantics<subcore_parallel>], iteration_bounds = array<i64: 2, 16>, scalar_prefetch = 0 : i64, scratch_operands = 6 : i64, tpu.core_type = #tpu.core_type<sc_vector_subcore>, window_params = [{transform_indices = #map}, {transform_indices = #map}, {transform_indices = #map}]} {
    %mul3A = arith.constant 2 : i32
    %mul3A_0 = arith.muli %arg1, %mul3A : i32
    %add3A = arith.addi %mul3A_0, %arg0 : i32
    %mul3A_1 = arith.constant 104 : i32
    %mul3A_2 = arith.muli %add3A, %mul3A_1 : i32
    "tpu.region"() ({
      %run_scoped3A = tpu.sem_alloc : memref<!tpu.dma_semaphore, #tpu.memory_space<semaphore_mem>>
      %dma_start3A_266 = arith.constant 0 : i32
      %dma_start3A_267 = tpu.memref_slice %arg2[%mul3A_2, %dma_start3A_266] : memref<3328x128xi32, #tpu.memory_space<hbm>> -> memref<104x128xi32, #tpu.memory_space<hbm>>
      %dma_start3A_268 = arith.constant 0 : i32
      %dma_start3A_269 = tpu.memref_slice %arg2[%mul3A_2, %dma_start3A_268] : memref<3328x128xi32, #tpu.memory_space<hbm>> -> memref<104x128xi32, #tpu.memory_space<hbm>>
      tpu.enqueue_dma source(%dma_start3A_269 : memref<104x128xi32, #tpu.memory_space<hbm>>) target(%arg5 : memref<104x128xi32, #tpu.memory_space<vmem>>) target_semaphore(%run_scoped3A : memref<!tpu.dma_semaphore, #tpu.memory_space<semaphore_mem>>)
      %dma_wait3A_270 = arith.constant 0 : i32
      %dma_wait3A_271 = tpu.memref_slice %arg2[%mul3A_2, %dma_wait3A_270] : memref<3328x128xi32, #tpu.memory_space<hbm>> -> memref<104x128xi32, #tpu.memory_space<hbm>>
      %dma_wait3A_272 = arith.constant 0 : i32
      %dma_wait3A_273 = tpu.memref_slice %arg2[%mul3A_2, %dma_wait3A_272] : memref<3328x128xi32, #tpu.memory_space<hbm>> -> memref<104x128xi32, #tpu.memory_space<hbm>>
      tpu.wait_dma2 semaphore(%run_scoped3A : memref<!tpu.dma_semaphore, #tpu.memory_space<semaphore_mem>>) src(%dma_wait3A_273 : memref<104x128xi32, #tpu.memory_space<hbm>>) dst(%arg5 : memref<104x128xi32, #tpu.memory_space<vmem>>)
      tpu.yield
    }) : () -> ()
    %scan3A = arith.constant 0 : i32
    %scan3A_3 = arith.constant 104 : i32
    %scan3A_4 = arith.addi %scan3A, %scan3A_3 : i32
    %scan3A_5 = arith.constant 1 : i32
    scf.for %scan3A_266 = %scan3A to %scan3A_4 step %scan3A_5  : i32 {
      %mul3A_267 = arith.constant 1 : i32
      %mul3A_268 = arith.muli %scan3A_266, %mul3A_267 : i32
      %add3A_269 = arith.constant 0 : i32
      %add3A_270 = arith.addi %add3A_269, %mul3A_268 : i32
      %mul3A_271 = arith.constant 128 : i32
      %mul3A_272 = arith.muli %add3A_270, %mul3A_271 : i32
      %add3A_273 = arith.constant 0 : i32
      %add3A_274 = arith.addi %mul3A_272, %add3A_273 : i32
      %iota3A = tpu.iota {dimensions = array<i32: 0>} : vector<16xi32>
      %add3A_275 = vector.broadcast %add3A_274 : i32 to vector<16xi32>
      %add3A_276 = arith.addi %iota3A, %add3A_275 : vector<16xi32>
      %rem3A = arith.constant 26 : i32
      %rem3A_277 = vector.broadcast %rem3A : i32 to vector<16xi32>
      %rem3A_278 = arith.remsi %add3A_276, %rem3A_277 : vector<16xi32>
      %get3A = arith.index_cast %add3A_270 : i32 to index
      %get3A_279 = arith.constant 0 : index
      %get3A_280 = tpu.vector_load %arg5[%get3A, %get3A_279] {strides = array<i32>} : memref<104x128xi32, #tpu.memory_space<vmem>>, vector<1x16xi32>,
      %get3A_281 = vector.shape_cast %get3A_280 : vector<1x16xi32> to vector<16xi32>
      %mul3A_282 = arith.constant 4 : i32
      %mul3A_283 = vector.broadcast %mul3A_282 : i32 to vector<16xi32>
      %mul3A_284 = arith.muli %get3A_281, %mul3A_283 : vector<16xi32>
      %mul3A_285 = arith.constant 400000 : i32
      %mul3A_286 = vector.broadcast %mul3A_285 : i32 to vector<16xi32>
      %mul3A_287 = arith.muli %rem3A_278, %mul3A_286 : vector<16xi32>
      %add3A_288 = arith.addi %mul3A_284, %mul3A_287 : vector<16xi32>
      %swap3A = arith.index_cast %add3A_270 : i32 to index
      %swap3A_289 = arith.constant 0 : index
      %swap3A_290 = tpu.vector_load %arg5[%swap3A, %swap3A_289] {strides = array<i32>} : memref<104x128xi32, #tpu.memory_space<vmem>>, vector<1x16xi32>,
      %swap3A_291 = vector.shape_cast %swap3A_290 : vector<1x16xi32> to vector<16xi32>
      %swap3A_292 = vector.shape_cast %add3A_288 : vector<16xi32> to vector<1x16xi32>
      tpu.vector_store %arg5[%swap3A, %swap3A_289], %swap3A_292 {strides = array<i32>} : memref<104x128xi32, #tpu.memory_space<vmem>>, vector<1x16xi32>,
      %mul3A_293 = arith.constant 128 : i32
      %mul3A_294 = arith.muli %add3A_270, %mul3A_293 : i32
      %add3A_295 = arith.constant 16 : i32
      %add3A_296 = arith.addi %mul3A_294, %add3A_295 : i32
      %iota3A_297 = tpu.iota {dimensions = array<i32: 0>} : vector<16xi32>
      %add3A_298 = vector.broadcast %add3A_296 : i32 to vector<16xi32>
      %add3A_299 = arith.addi %iota3A_297, %add3A_298 : vector<16xi32>
      %rem3A_300 = arith.constant 26 : i32
      %rem3A_301 = vector.broadcast %rem3A_300 : i32 to vector<16xi32>
      %rem3A_302 = arith.remsi %add3A_299, %rem3A_301 : vector<16xi32>
      %get3A_303 = arith.index_cast %add3A_270 : i32 to index
      %get3A_304 = arith.constant 16 : index
      %get3A_305 = tpu.vector_load %arg5[%get3A_303, %get3A_304] {strides = array<i32>} : memref<104x128xi32, #tpu.memory_space<vmem>>, vector<1x16xi32>,
      %get3A_306 = vector.shape_cast %get3A_305 : vector<1x16xi32> to vector<16xi32>
      %mul3A_307 = arith.constant 4 : i32
      %mul3A_308 = vector.broadcast %mul3A_307 : i32 to vector<16xi32>
      %mul3A_309 = arith.muli %get3A_306, %mul3A_308 : vector<16xi32>
      %mul3A_310 = arith.constant 400000 : i32
      %mul3A_311 = vector.broadcast %mul3A_310 : i32 to vector<16xi32>
      %mul3A_312 = arith.muli %rem3A_302, %mul3A_311 : vector<16xi32>
      %add3A_313 = arith.addi %mul3A_309, %mul3A_312 : vector<16xi32>
      %swap3A_314 = arith.index_cast %add3A_270 : i32 to index
      %swap3A_315 = arith.constant 16 : index
      %swap3A_316 = tpu.vector_load %arg5[%swap3A_314, %swap3A_315] {strides = array<i32>} : memref<104x128xi32, #tpu.memory_space<vmem>>, vector<1x16xi32>,
      %swap3A_317 = vector.shape_cast %swap3A_316 : vector<1x16xi32> to vector<16xi32>
      %swap3A_318 = vector.shape_cast %add3A_313 : vector<16xi32> to vector<1x16xi32>
      tpu.vector_store %arg5[%swap3A_314, %swap3A_315], %swap3A_318 {strides = array<i32>} : memref<104x128xi32, #tpu.memory_space<vmem>>, vector<1x16xi32>,
      %mul3A_319 = arith.constant 128 : i32
      %mul3A_320 = arith.muli %add3A_270, %mul3A_319 : i32
      %add3A_321 = arith.constant 32 : i32
      %add3A_322 = arith.addi %mul3A_320, %add3A_321 : i32
      %iota3A_323 = tpu.iota {dimensions = array<i32: 0>} : vector<16xi32>
      %add3A_324 = vector.broadcast %add3A_322 : i32 to vector<16xi32>
      %add3A_325 = arith.addi %iota3A_323, %add3A_324 : vector<16xi32>
      %rem3A_326 = arith.constant 26 : i32
      %rem3A_327 = vector.broadcast %rem3A_326 : i32 to vector<16xi32>
      %rem3A_328 = arith.remsi %add3A_325, %rem3A_327 : vector<16xi32>
      %get3A_329 = arith.index_cast %add3A_270 : i32 to index
      %get3A_330 = arith.constant 32 : index
      %get3A_331 = tpu.vector_load %arg5[%get3A_329, %get3A_330] {strides = array<i32>} : memref<104x128xi32, #tpu.memory_space<vmem>>, vector<1x16xi32>,
      %get3A_332 = vector.shape_cast %get3A_331 : vector<1x16xi32> to vector<16xi32>
      %mul3A_333 = arith.constant 4 : i32
      %mul3A_334 = vector.broadcast %mul3A_333 : i32 to vector<16xi32>
      %mul3A_335 = arith.muli %get3A_332, %mul3A_334 : vector<16xi32>
      %mul3A_336 = arith.constant 400000 : i32
      %mul3A_337 = vector.broadcast %mul3A_336 : i32 to vector<16xi32>
      %mul3A_338 = arith.muli %rem3A_328, %mul3A_337 : vector<16xi32>
      %add3A_339 = arith.addi %mul3A_335, %mul3A_338 : vector<16xi32>
      %swap3A_340 = arith.index_cast %add3A_270 : i32 to index
      %swap3A_341 = arith.constant 32 : index
      %swap3A_342 = tpu.vector_load %arg5[%swap3A_340, %swap3A_341] {strides = array<i32>} : memref<104x128xi32, #tpu.memory_space<vmem>>, vector<1x16xi32>,
      %swap3A_343 = vector.shape_cast %swap3A_342 : vector<1x16xi32> to vector<16xi32>
      %swap3A_344 = vector.shape_cast %add3A_339 : vector<16xi32> to vector<1x16xi32>
      tpu.vector_store %arg5[%swap3A_340, %swap3A_341], %swap3A_344 {strides = array<i32>} : memref<104x128xi32, #tpu.memory_space<vmem>>, vector<1x16xi32>,
      %mul3A_345 = arith.constant 128 : i32
      %mul3A_346 = arith.muli %add3A_270, %mul3A_345 : i32
      %add3A_347 = arith.constant 48 : i32
      %add3A_348 = arith.addi %mul3A_346, %add3A_347 : i32
      %iota3A_349 = tpu.iota {dimensions = array<i32: 0>} : vector<16xi32>
      %add3A_350 = vector.broadcast %add3A_348 : i32 to vector<16xi32>
      %add3A_351 = arith.addi %iota3A_349, %add3A_350 : vector<16xi32>
      %rem3A_352 = arith.constant 26 : i32
      %rem3A_353 = vector.broadcast %rem3A_352 : i32 to vector<16xi32>
      %rem3A_354 = arith.remsi %add3A_351, %rem3A_353 : vector<16xi32>
      %get3A_355 = arith.index_cast %add3A_270 : i32 to index
      %get3A_356 = arith.constant 48 : index
      %get3A_357 = tpu.vector_load %arg5[%get3A_355, %get3A_356] {strides = array<i32>} : memref<104x128xi32, #tpu.memory_space<vmem>>, vector<1x16xi32>,
      %get3A_358 = vector.shape_cast %get3A_357 : vector<1x16xi32> to vector<16xi32>
      %mul3A_359 = arith.constant 4 : i32
      %mul3A_360 = vector.broadcast %mul3A_359 : i32 to vector<16xi32>
      %mul3A_361 = arith.muli %get3A_358, %mul3A_360 : vector<16xi32>
      %mul3A_362 = arith.constant 400000 : i32
      %mul3A_363 = vector.broadcast %mul3A_362 : i32 to vector<16xi32>
      %mul3A_364 = arith.muli %rem3A_354, %mul3A_363 : vector<16xi32>
      %add3A_365 = arith.addi %mul3A_361, %mul3A_364 : vector<16xi32>
      %swap3A_366 = arith.index_cast %add3A_270 : i32 to index
      %swap3A_367 = arith.constant 48 : index
      %swap3A_368 = tpu.vector_load %arg5[%swap3A_366, %swap3A_367] {strides = array<i32>} : memref<104x128xi32, #tpu.memory_space<vmem>>, vector<1x16xi32>,
      %swap3A_369 = vector.shape_cast %swap3A_368 : vector<1x16xi32> to vector<16xi32>
      %swap3A_370 = vector.shape_cast %add3A_365 : vector<16xi32> to vector<1x16xi32>
      tpu.vector_store %arg5[%swap3A_366, %swap3A_367], %swap3A_370 {strides = array<i32>} : memref<104x128xi32, #tpu.memory_space<vmem>>, vector<1x16xi32>,
      %mul3A_371 = arith.constant 128 : i32
      %mul3A_372 = arith.muli %add3A_270, %mul3A_371 : i32
      %add3A_373 = arith.constant 64 : i32
      %add3A_374 = arith.addi %mul3A_372, %add3A_373 : i32
      %iota3A_375 = tpu.iota {dimensions = array<i32: 0>} : vector<16xi32>
      %add3A_376 = vector.broadcast %add3A_374 : i32 to vector<16xi32>
      %add3A_377 = arith.addi %iota3A_375, %add3A_376 : vector<16xi32>
      %rem3A_378 = arith.constant 26 : i32
      %rem3A_379 = vector.broadcast %rem3A_378 : i32 to vector<16xi32>
      %rem3A_380 = arith.remsi %add3A_377, %rem3A_379 : vector<16xi32>
      %get3A_381 = arith.index_cast %add3A_270 : i32 to index
      %get3A_382 = arith.constant 64 : index
      %get3A_383 = tpu.vector_load %arg5[%get3A_381, %get3A_382] {strides = array<i32>} : memref<104x128xi32, #tpu.memory_space<vmem>>, vector<1x16xi32>,
      %get3A_384 = vector.shape_cast %get3A_383 : vector<1x16xi32> to vector<16xi32>
      %mul3A_385 = arith.constant 4 : i32
      %mul3A_386 = vector.broadcast %mul3A_385 : i32 to vector<16xi32>
      %mul3A_387 = arith.muli %get3A_384, %mul3A_386 : vector<16xi32>
      %mul3A_388 = arith.constant 400000 : i32
      %mul3A_389 = vector.broadcast %mul3A_388 : i32 to vector<16xi32>
      %mul3A_390 = arith.muli %rem3A_380, %mul3A_389 : vector<16xi32>
      %add3A_391 = arith.addi %mul3A_387, %mul3A_390 : vector<16xi32>
      %swap3A_392 = arith.index_cast %add3A_270 : i32 to index
      %swap3A_393 = arith.constant 64 : index
      %swap3A_394 = tpu.vector_load %arg5[%swap3A_392, %swap3A_393] {strides = array<i32>} : memref<104x128xi32, #tpu.memory_space<vmem>>, vector<1x16xi32>,
      %swap3A_395 = vector.shape_cast %swap3A_394 : vector<1x16xi32> to vector<16xi32>
      %swap3A_396 = vector.shape_cast %add3A_391 : vector<16xi32> to vector<1x16xi32>
      tpu.vector_store %arg5[%swap3A_392, %swap3A_393], %swap3A_396 {strides = array<i32>} : memref<104x128xi32, #tpu.memory_space<vmem>>, vector<1x16xi32>,
      %mul3A_397 = arith.constant 128 : i32
      %mul3A_398 = arith.muli %add3A_270, %mul3A_397 : i32
      %add3A_399 = arith.constant 80 : i32
      %add3A_400 = arith.addi %mul3A_398, %add3A_399 : i32
      %iota3A_401 = tpu.iota {dimensions = array<i32: 0>} : vector<16xi32>
      %add3A_402 = vector.broadcast %add3A_400 : i32 to vector<16xi32>
      %add3A_403 = arith.addi %iota3A_401, %add3A_402 : vector<16xi32>
      %rem3A_404 = arith.constant 26 : i32
      %rem3A_405 = vector.broadcast %rem3A_404 : i32 to vector<16xi32>
      %rem3A_406 = arith.remsi %add3A_403, %rem3A_405 : vector<16xi32>
      %get3A_407 = arith.index_cast %add3A_270 : i32 to index
      %get3A_408 = arith.constant 80 : index
      %get3A_409 = tpu.vector_load %arg5[%get3A_407, %get3A_408] {strides = array<i32>} : memref<104x128xi32, #tpu.memory_space<vmem>>, vector<1x16xi32>,
      %get3A_410 = vector.shape_cast %get3A_409 : vector<1x16xi32> to vector<16xi32>
      %mul3A_411 = arith.constant 4 : i32
      %mul3A_412 = vector.broadcast %mul3A_411 : i32 to vector<16xi32>
      %mul3A_413 = arith.muli %get3A_410, %mul3A_412 : vector<16xi32>
      %mul3A_414 = arith.constant 400000 : i32
      %mul3A_415 = vector.broadcast %mul3A_414 : i32 to vector<16xi32>
      %mul3A_416 = arith.muli %rem3A_406, %mul3A_415 : vector<16xi32>
      %add3A_417 = arith.addi %mul3A_413, %mul3A_416 : vector<16xi32>
      %swap3A_418 = arith.index_cast %add3A_270 : i32 to index
      %swap3A_419 = arith.constant 80 : index
      %swap3A_420 = tpu.vector_load %arg5[%swap3A_418, %swap3A_419] {strides = array<i32>} : memref<104x128xi32, #tpu.memory_space<vmem>>, vector<1x16xi32>,
      %swap3A_421 = vector.shape_cast %swap3A_420 : vector<1x16xi32> to vector<16xi32>
      %swap3A_422 = vector.shape_cast %add3A_417 : vector<16xi32> to vector<1x16xi32>
      tpu.vector_store %arg5[%swap3A_418, %swap3A_419], %swap3A_422 {strides = array<i32>} : memref<104x128xi32, #tpu.memory_space<vmem>>, vector<1x16xi32>,
      %mul3A_423 = arith.constant 128 : i32
      %mul3A_424 = arith.muli %add3A_270, %mul3A_423 : i32
      %add3A_425 = arith.constant 96 : i32
      %add3A_426 = arith.addi %mul3A_424, %add3A_425 : i32
      %iota3A_427 = tpu.iota {dimensions = array<i32: 0>} : vector<16xi32>
      %add3A_428 = vector.broadcast %add3A_426 : i32 to vector<16xi32>
      %add3A_429 = arith.addi %iota3A_427, %add3A_428 : vector<16xi32>
      %rem3A_430 = arith.constant 26 : i32
      %rem3A_431 = vector.broadcast %rem3A_430 : i32 to vector<16xi32>
      %rem3A_432 = arith.remsi %add3A_429, %rem3A_431 : vector<16xi32>
      %get3A_433 = arith.index_cast %add3A_270 : i32 to index
      %get3A_434 = arith.constant 96 : index
      %get3A_435 = tpu.vector_load %arg5[%get3A_433, %get3A_434] {strides = array<i32>} : memref<104x128xi32, #tpu.memory_space<vmem>>, vector<1x16xi32>,
      %get3A_436 = vector.shape_cast %get3A_435 : vector<1x16xi32> to vector<16xi32>
      %mul3A_437 = arith.constant 4 : i32
      %mul3A_438 = vector.broadcast %mul3A_437 : i32 to vector<16xi32>
      %mul3A_439 = arith.muli %get3A_436, %mul3A_438 : vector<16xi32>
      %mul3A_440 = arith.constant 400000 : i32
      %mul3A_441 = vector.broadcast %mul3A_440 : i32 to vector<16xi32>
      %mul3A_442 = arith.muli %rem3A_432, %mul3A_441 : vector<16xi32>
      %add3A_443 = arith.addi %mul3A_439, %mul3A_442 : vector<16xi32>
      %swap3A_444 = arith.index_cast %add3A_270 : i32 to index
      %swap3A_445 = arith.constant 96 : index
      %swap3A_446 = tpu.vector_load %arg5[%swap3A_444, %swap3A_445] {strides = array<i32>} : memref<104x128xi32, #tpu.memory_space<vmem>>, vector<1x16xi32>,
      %swap3A_447 = vector.shape_cast %swap3A_446 : vector<1x16xi32> to vector<16xi32>
      %swap3A_448 = vector.shape_cast %add3A_443 : vector<16xi32> to vector<1x16xi32>
      tpu.vector_store %arg5[%swap3A_444, %swap3A_445], %swap3A_448 {strides = array<i32>} : memref<104x128xi32, #tpu.memory_space<vmem>>, vector<1x16xi32>,
      %mul3A_449 = arith.constant 128 : i32
      %mul3A_450 = arith.muli %add3A_270, %mul3A_449 : i32
      %add3A_451 = arith.constant 112 : i32
      %add3A_452 = arith.addi %mul3A_450, %add3A_451 : i32
      %iota3A_453 = tpu.iota {dimensions = array<i32: 0>} : vector<16xi32>
      %add3A_454 = vector.broadcast %add3A_452 : i32 to vector<16xi32>
      %add3A_455 = arith.addi %iota3A_453, %add3A_454 : vector<16xi32>
      %rem3A_456 = arith.constant 26 : i32
      %rem3A_457 = vector.broadcast %rem3A_456 : i32 to vector<16xi32>
      %rem3A_458 = arith.remsi %add3A_455, %rem3A_457 : vector<16xi32>
      %get3A_459 = arith.index_cast %add3A_270 : i32 to index
      %get3A_460 = arith.constant 112 : index
      %get3A_461 = tpu.vector_load %arg5[%get3A_459, %get3A_460] {strides = array<i32>} : memref<104x128xi32, #tpu.memory_space<vmem>>, vector<1x16xi32>,
      %get3A_462 = vector.shape_cast %get3A_461 : vector<1x16xi32> to vector<16xi32>
      %mul3A_463 = arith.constant 4 : i32
      %mul3A_464 = vector.broadcast %mul3A_463 : i32 to vector<16xi32>
      %mul3A_465 = arith.muli %get3A_462, %mul3A_464 : vector<16xi32>
      %mul3A_466 = arith.constant 400000 : i32
      %mul3A_467 = vector.broadcast %mul3A_466 : i32 to vector<16xi32>
      %mul3A_468 = arith.muli %rem3A_458, %mul3A_467 : vector<16xi32>
      %add3A_469 = arith.addi %mul3A_465, %mul3A_468 : vector<16xi32>
      %swap3A_470 = arith.index_cast %add3A_270 : i32 to index
      %swap3A_471 = arith.constant 112 : index
      %swap3A_472 = tpu.vector_load %arg5[%swap3A_470, %swap3A_471] {strides = array<i32>} : memref<104x128xi32, #tpu.memory_space<vmem>>, vector<1x16xi32>,
      %swap3A_473 = vector.shape_cast %swap3A_472 : vector<1x16xi32> to vector<16xi32>
      %swap3A_474 = vector.shape_cast %add3A_469 : vector<16xi32> to vector<1x16xi32>
      tpu.vector_store %arg5[%swap3A_470, %swap3A_471], %swap3A_474 {strides = array<i32>} : memref<104x128xi32, #tpu.memory_space<vmem>>, vector<1x16xi32>,
    }
    %scan3A_6 = arith.constant 104 : i32
    %dma_start3A = arith.constant 0 : i32
    %dma_start3A_7 = arith.constant 0 : i32
    %dma_start3A_8 = arith.constant 0 : i32
    %dma_start3A_9 = tpu.memref_slice %arg6[%dma_start3A_7, %dma_start3A_8] : memref<1024x32xf32, #tpu.memory_space<vmem>> -> memref<128x32xf32, #tpu.memory_space<vmem>>
    %dma_start3A_10 = arith.constant 0 : i32
    %dma_start3A_11 = tpu.memref_slice %arg5[%dma_start3A, %dma_start3A_10] : memref<104x128xi32, #tpu.memory_space<vmem>> -> memref<1x128xi32, #tpu.memory_space<vmem>>
    %dma_start3A_12 = tpu.memref_squeeze %dma_start3A_11 : memref<1x128xi32, #tpu.memory_space<vmem>> -> memref<128xi32, #tpu.memory_space<vmem>>
    %dma_start3A_13 = arith.constant 0 : i32
    %dma_start3A_14 = arith.constant 0 : i32
    %dma_start3A_15 = tpu.memref_slice %arg3[%dma_start3A_13, %dma_start3A_14] : memref<10400000x32xf32, #tpu.memory_space<hbm>> -> memref<10400000x32xf32, #tpu.memory_space<hbm>>
    tpu.enqueue_indirect_dma source(%dma_start3A_15 : memref<10400000x32xf32, #tpu.memory_space<hbm>>) target(%dma_start3A_9 : memref<128x32xf32, #tpu.memory_space<vmem>>) offsets(%dma_start3A_12 : memref<128xi32, #tpu.memory_space<vmem>>) semaphore(%arg7 : memref<!tpu.dma_semaphore, #tpu.memory_space<semaphore_mem>>)
    %dma_start3A_16 = arith.constant 1 : i32
    %dma_start3A_17 = arith.constant 128 : i32
    %dma_start3A_18 = arith.constant 0 : i32
    %dma_start3A_19 = tpu.memref_slice %arg6[%dma_start3A_17, %dma_start3A_18] : memref<1024x32xf32, #tpu.memory_space<vmem>> -> memref<128x32xf32, #tpu.memory_space<vmem>>
    %dma_start3A_20 = arith.constant 0 : i32
    %dma_start3A_21 = tpu.memref_slice %arg5[%dma_start3A_16, %dma_start3A_20] : memref<104x128xi32, #tpu.memory_space<vmem>> -> memref<1x128xi32, #tpu.memory_space<vmem>>
    %dma_start3A_22 = tpu.memref_squeeze %dma_start3A_21 : memref<1x128xi32, #tpu.memory_space<vmem>> -> memref<128xi32, #tpu.memory_space<vmem>>
    %dma_start3A_23 = arith.constant 0 : i32
    %dma_start3A_24 = arith.constant 0 : i32
    %dma_start3A_25 = tpu.memref_slice %arg3[%dma_start3A_23, %dma_start3A_24] : memref<10400000x32xf32, #tpu.memory_space<hbm>> -> memref<10400000x32xf32, #tpu.memory_space<hbm>>
    tpu.enqueue_indirect_dma source(%dma_start3A_25 : memref<10400000x32xf32, #tpu.memory_space<hbm>>) target(%dma_start3A_19 : memref<128x32xf32, #tpu.memory_space<vmem>>) offsets(%dma_start3A_22 : memref<128xi32, #tpu.memory_space<vmem>>) semaphore(%arg7 : memref<!tpu.dma_semaphore, #tpu.memory_space<semaphore_mem>>)
    %dma_start3A_26 = arith.constant 2 : i32
    %dma_start3A_27 = arith.constant 256 : i32
    %dma_start3A_28 = arith.constant 0 : i32
    %dma_start3A_29 = tpu.memref_slice %arg6[%dma_start3A_27, %dma_start3A_28] : memref<1024x32xf32, #tpu.memory_space<vmem>> -> memref<128x32xf32, #tpu.memory_space<vmem>>
    %dma_start3A_30 = arith.constant 0 : i32
    %dma_start3A_31 = tpu.memref_slice %arg5[%dma_start3A_26, %dma_start3A_30] : memref<104x128xi32, #tpu.memory_space<vmem>> -> memref<1x128xi32, #tpu.memory_space<vmem>>
    %dma_start3A_32 = tpu.memref_squeeze %dma_start3A_31 : memref<1x128xi32, #tpu.memory_space<vmem>> -> memref<128xi32, #tpu.memory_space<vmem>>
    %dma_start3A_33 = arith.constant 0 : i32
    %dma_start3A_34 = arith.constant 0 : i32
    %dma_start3A_35 = tpu.memref_slice %arg3[%dma_start3A_33, %dma_start3A_34] : memref<10400000x32xf32, #tpu.memory_space<hbm>> -> memref<10400000x32xf32, #tpu.memory_space<hbm>>
    tpu.enqueue_indirect_dma source(%dma_start3A_35 : memref<10400000x32xf32, #tpu.memory_space<hbm>>) target(%dma_start3A_29 : memref<128x32xf32, #tpu.memory_space<vmem>>) offsets(%dma_start3A_32 : memref<128xi32, #tpu.memory_space<vmem>>) semaphore(%arg7 : memref<!tpu.dma_semaphore, #tpu.memory_space<semaphore_mem>>)
    %dma_start3A_36 = arith.constant 3 : i32
    %dma_start3A_37 = arith.constant 384 : i32
    %dma_start3A_38 = arith.constant 0 : i32
    %dma_start3A_39 = tpu.memref_slice %arg6[%dma_start3A_37, %dma_start3A_38] : memref<1024x32xf32, #tpu.memory_space<vmem>> -> memref<128x32xf32, #tpu.memory_space<vmem>>
    %dma_start3A_40 = arith.constant 0 : i32
    %dma_start3A_41 = tpu.memref_slice %arg5[%dma_start3A_36, %dma_start3A_40] : memref<104x128xi32, #tpu.memory_space<vmem>> -> memref<1x128xi32, #tpu.memory_space<vmem>>
    %dma_start3A_42 = tpu.memref_squeeze %dma_start3A_41 : memref<1x128xi32, #tpu.memory_space<vmem>> -> memref<128xi32, #tpu.memory_space<vmem>>
    %dma_start3A_43 = arith.constant 0 : i32
    %dma_start3A_44 = arith.constant 0 : i32
    %dma_start3A_45 = tpu.memref_slice %arg3[%dma_start3A_43, %dma_start3A_44] : memref<10400000x32xf32, #tpu.memory_space<hbm>> -> memref<10400000x32xf32, #tpu.memory_space<hbm>>
    tpu.enqueue_indirect_dma source(%dma_start3A_45 : memref<10400000x32xf32, #tpu.memory_space<hbm>>) target(%dma_start3A_39 : memref<128x32xf32, #tpu.memory_space<vmem>>) offsets(%dma_start3A_42 : memref<128xi32, #tpu.memory_space<vmem>>) semaphore(%arg7 : memref<!tpu.dma_semaphore, #tpu.memory_space<semaphore_mem>>)
    %dma_start3A_46 = arith.constant 4 : i32
    %dma_start3A_47 = arith.constant 512 : i32
    %dma_start3A_48 = arith.constant 0 : i32
    %dma_start3A_49 = tpu.memref_slice %arg6[%dma_start3A_47, %dma_start3A_48] : memref<1024x32xf32, #tpu.memory_space<vmem>> -> memref<128x32xf32, #tpu.memory_space<vmem>>
    %dma_start3A_50 = arith.constant 0 : i32
    %dma_start3A_51 = tpu.memref_slice %arg5[%dma_start3A_46, %dma_start3A_50] : memref<104x128xi32, #tpu.memory_space<vmem>> -> memref<1x128xi32, #tpu.memory_space<vmem>>
    %dma_start3A_52 = tpu.memref_squeeze %dma_start3A_51 : memref<1x128xi32, #tpu.memory_space<vmem>> -> memref<128xi32, #tpu.memory_space<vmem>>
    %dma_start3A_53 = arith.constant 0 : i32
    %dma_start3A_54 = arith.constant 0 : i32
    %dma_start3A_55 = tpu.memref_slice %arg3[%dma_start3A_53, %dma_start3A_54] : memref<10400000x32xf32, #tpu.memory_space<hbm>> -> memref<10400000x32xf32, #tpu.memory_space<hbm>>
    tpu.enqueue_indirect_dma source(%dma_start3A_55 : memref<10400000x32xf32, #tpu.memory_space<hbm>>) target(%dma_start3A_49 : memref<128x32xf32, #tpu.memory_space<vmem>>) offsets(%dma_start3A_52 : memref<128xi32, #tpu.memory_space<vmem>>) semaphore(%arg8 : memref<!tpu.dma_semaphore, #tpu.memory_space<semaphore_mem>>)
    %dma_start3A_56 = arith.constant 5 : i32
    %dma_start3A_57 = arith.constant 640 : i32
    %dma_start3A_58 = arith.constant 0 : i32
    %dma_start3A_59 = tpu.memref_slice %arg6[%dma_start3A_57, %dma_start3A_58] : memref<1024x32xf32, #tpu.memory_space<vmem>> -> memref<128x32xf32, #tpu.memory_space<vmem>>
    %dma_start3A_60 = arith.constant 0 : i32
    %dma_start3A_61 = tpu.memref_slice %arg5[%dma_start3A_56, %dma_start3A_60] : memref<104x128xi32, #tpu.memory_space<vmem>> -> memref<1x128xi32, #tpu.memory_space<vmem>>
    %dma_start3A_62 = tpu.memref_squeeze %dma_start3A_61 : memref<1x128xi32, #tpu.memory_space<vmem>> -> memref<128xi32, #tpu.memory_space<vmem>>
    %dma_start3A_63 = arith.constant 0 : i32
    %dma_start3A_64 = arith.constant 0 : i32
    %dma_start3A_65 = tpu.memref_slice %arg3[%dma_start3A_63, %dma_start3A_64] : memref<10400000x32xf32, #tpu.memory_space<hbm>> -> memref<10400000x32xf32, #tpu.memory_space<hbm>>
    tpu.enqueue_indirect_dma source(%dma_start3A_65 : memref<10400000x32xf32, #tpu.memory_space<hbm>>) target(%dma_start3A_59 : memref<128x32xf32, #tpu.memory_space<vmem>>) offsets(%dma_start3A_62 : memref<128xi32, #tpu.memory_space<vmem>>) semaphore(%arg8 : memref<!tpu.dma_semaphore, #tpu.memory_space<semaphore_mem>>)
    %dma_start3A_66 = arith.constant 6 : i32
    %dma_start3A_67 = arith.constant 768 : i32
    %dma_start3A_68 = arith.constant 0 : i32
    %dma_start3A_69 = tpu.memref_slice %arg6[%dma_start3A_67, %dma_start3A_68] : memref<1024x32xf32, #tpu.memory_space<vmem>> -> memref<128x32xf32, #tpu.memory_space<vmem>>
    %dma_start3A_70 = arith.constant 0 : i32
    %dma_start3A_71 = tpu.memref_slice %arg5[%dma_start3A_66, %dma_start3A_70] : memref<104x128xi32, #tpu.memory_space<vmem>> -> memref<1x128xi32, #tpu.memory_space<vmem>>
    %dma_start3A_72 = tpu.memref_squeeze %dma_start3A_71 : memref<1x128xi32, #tpu.memory_space<vmem>> -> memref<128xi32, #tpu.memory_space<vmem>>
    %dma_start3A_73 = arith.constant 0 : i32
    %dma_start3A_74 = arith.constant 0 : i32
    %dma_start3A_75 = tpu.memref_slice %arg3[%dma_start3A_73, %dma_start3A_74] : memref<10400000x32xf32, #tpu.memory_space<hbm>> -> memref<10400000x32xf32, #tpu.memory_space<hbm>>
    tpu.enqueue_indirect_dma source(%dma_start3A_75 : memref<10400000x32xf32, #tpu.memory_space<hbm>>) target(%dma_start3A_69 : memref<128x32xf32, #tpu.memory_space<vmem>>) offsets(%dma_start3A_72 : memref<128xi32, #tpu.memory_space<vmem>>) semaphore(%arg8 : memref<!tpu.dma_semaphore, #tpu.memory_space<semaphore_mem>>)
    %dma_start3A_76 = arith.constant 7 : i32
    %dma_start3A_77 = arith.constant 896 : i32
    %dma_start3A_78 = arith.constant 0 : i32
    %dma_start3A_79 = tpu.memref_slice %arg6[%dma_start3A_77, %dma_start3A_78] : memref<1024x32xf32, #tpu.memory_space<vmem>> -> memref<128x32xf32, #tpu.memory_space<vmem>>
    %dma_start3A_80 = arith.constant 0 : i32
    %dma_start3A_81 = tpu.memref_slice %arg5[%dma_start3A_76, %dma_start3A_80] : memref<104x128xi32, #tpu.memory_space<vmem>> -> memref<1x128xi32, #tpu.memory_space<vmem>>
    %dma_start3A_82 = tpu.memref_squeeze %dma_start3A_81 : memref<1x128xi32, #tpu.memory_space<vmem>> -> memref<128xi32, #tpu.memory_space<vmem>>
    %dma_start3A_83 = arith.constant 0 : i32
    %dma_start3A_84 = arith.constant 0 : i32
    %dma_start3A_85 = tpu.memref_slice %arg3[%dma_start3A_83, %dma_start3A_84] : memref<10400000x32xf32, #tpu.memory_space<hbm>> -> memref<10400000x32xf32, #tpu.memory_space<hbm>>
    tpu.enqueue_indirect_dma source(%dma_start3A_85 : memref<10400000x32xf32, #tpu.memory_space<hbm>>) target(%dma_start3A_79 : memref<128x32xf32, #tpu.memory_space<vmem>>) offsets(%dma_start3A_82 : memref<128xi32, #tpu.memory_space<vmem>>) semaphore(%arg8 : memref<!tpu.dma_semaphore, #tpu.memory_space<semaphore_mem>>)
    %scan3A_86 = arith.constant 0 : i32
    %scan3A_87 = arith.constant 12 : i32
    %scan3A_88 = arith.addi %scan3A_86, %scan3A_87 : i32
    %scan3A_89 = arith.constant 1 : i32
    scf.for %scan3A_266 = %scan3A_86 to %scan3A_88 step %scan3A_89  : i32 {
      %mul3A_267 = arith.constant 1 : i32
      %mul3A_268 = arith.muli %scan3A_266, %mul3A_267 : i32
      %add3A_269 = arith.constant 0 : i32
      %add3A_270 = arith.addi %add3A_269, %mul3A_268 : i32
      %mul3A_271 = arith.constant 2 : i32
      %mul3A_272 = arith.muli %mul3A_271, %add3A_270 : i32
      %add3A_273 = arith.constant 0 : i32
      %add3A_274 = arith.addi %mul3A_272, %add3A_273 : i32
      %dma_wait3A_275 = arith.constant 0 : i32
      %dma_wait3A_276 = arith.constant 0 : i32
      %dma_wait3A_277 = tpu.memref_slice %arg6[%dma_wait3A_275, %dma_wait3A_276] : memref<1024x32xf32, #tpu.memory_space<vmem>> -> memref<512x32xf32, #tpu.memory_space<vmem>>
      %dma_wait3A_278 = arith.constant 0 : i32
      %dma_wait3A_279 = arith.constant 0 : i32
      %dma_wait3A_280 = tpu.memref_slice %arg4[%dma_wait3A_278, %dma_wait3A_279] : memref<425984x32xf32, #tpu.memory_space<hbm>> -> memref<512x32xf32, #tpu.memory_space<hbm>>
      %dma_wait3A_281 = arith.constant 0 : i32
      %dma_wait3A_282 = arith.constant 0 : i32
      %dma_wait3A_283 = tpu.memref_slice %arg6[%dma_wait3A_281, %dma_wait3A_282] : memref<1024x32xf32, #tpu.memory_space<vmem>> -> memref<512x32xf32, #tpu.memory_space<vmem>>
      %dma_wait3A_284 = arith.constant 0 : i32
      %dma_wait3A_285 = arith.constant 0 : i32
      %dma_wait3A_286 = tpu.memref_slice %arg4[%dma_wait3A_284, %dma_wait3A_285] : memref<425984x32xf32, #tpu.memory_space<hbm>> -> memref<512x32xf32, #tpu.memory_space<hbm>>
      tpu.wait_dma2 semaphore(%arg7 : memref<!tpu.dma_semaphore, #tpu.memory_space<semaphore_mem>>) src(%dma_wait3A_286 : memref<512x32xf32, #tpu.memory_space<hbm>>) dst(%dma_wait3A_283 : memref<512x32xf32, #tpu.memory_space<vmem>>)
      %mul3A_287 = arith.constant 4 : i32
      %mul3A_288 = arith.muli %add3A_274, %mul3A_287 : i32
      %add3A_289 = arith.addi %mul3A_2, %mul3A_288 : i32
      %add3A_290 = arith.constant 0 : i32
      %add3A_291 = arith.addi %add3A_289, %add3A_290 : i32
      %mul3A_292 = arith.constant 128 : i32
      %mul3A_293 = arith.muli %add3A_291, %mul3A_292 : i32
      %dma_start3A_294 = arith.constant 0 : i32
      %dma_start3A_295 = arith.constant 0 : i32
      %dma_start3A_296 = tpu.memref_slice %arg6[%dma_start3A_294, %dma_start3A_295] : memref<1024x32xf32, #tpu.memory_space<vmem>> -> memref<128x32xf32, #tpu.memory_space<vmem>>
      %dma_start3A_297 = arith.constant 0 : i32
      %dma_start3A_298 = tpu.memref_slice %arg4[%mul3A_293, %dma_start3A_297] : memref<425984x32xf32, #tpu.memory_space<hbm>> -> memref<128x32xf32, #tpu.memory_space<hbm>>
      %dma_start3A_299 = arith.constant 0 : i32
      %dma_start3A_300 = tpu.memref_slice %arg4[%mul3A_293, %dma_start3A_299] : memref<425984x32xf32, #tpu.memory_space<hbm>> -> memref<128x32xf32, #tpu.memory_space<hbm>>
      %dma_start3A_301 = arith.constant 0 : i32
      %dma_start3A_302 = arith.constant 0 : i32
      %dma_start3A_303 = tpu.memref_slice %arg6[%dma_start3A_301, %dma_start3A_302] : memref<1024x32xf32, #tpu.memory_space<vmem>> -> memref<128x32xf32, #tpu.memory_space<vmem>>
      tpu.enqueue_dma source(%dma_start3A_303 : memref<128x32xf32, #tpu.memory_space<vmem>>) target(%dma_start3A_300 : memref<128x32xf32, #tpu.memory_space<hbm>>) target_semaphore(%arg9 : memref<!tpu.dma_semaphore, #tpu.memory_space<semaphore_mem>>)
      %mul3A_304 = arith.constant 4 : i32
      %mul3A_305 = arith.muli %add3A_274, %mul3A_304 : i32
      %add3A_306 = arith.addi %mul3A_2, %mul3A_305 : i32
      %add3A_307 = arith.constant 1 : i32
      %add3A_308 = arith.addi %add3A_306, %add3A_307 : i32
      %mul3A_309 = arith.constant 128 : i32
      %mul3A_310 = arith.muli %add3A_308, %mul3A_309 : i32
      %dma_start3A_311 = arith.constant 128 : i32
      %dma_start3A_312 = arith.constant 0 : i32
      %dma_start3A_313 = tpu.memref_slice %arg6[%dma_start3A_311, %dma_start3A_312] : memref<1024x32xf32, #tpu.memory_space<vmem>> -> memref<128x32xf32, #tpu.memory_space<vmem>>
      %dma_start3A_314 = arith.constant 0 : i32
      %dma_start3A_315 = tpu.memref_slice %arg4[%mul3A_310, %dma_start3A_314] : memref<425984x32xf32, #tpu.memory_space<hbm>> -> memref<128x32xf32, #tpu.memory_space<hbm>>
      %dma_start3A_316 = arith.constant 0 : i32
      %dma_start3A_317 = tpu.memref_slice %arg4[%mul3A_310, %dma_start3A_316] : memref<425984x32xf32, #tpu.memory_space<hbm>> -> memref<128x32xf32, #tpu.memory_space<hbm>>
      %dma_start3A_318 = arith.constant 128 : i32
      %dma_start3A_319 = arith.constant 0 : i32
      %dma_start3A_320 = tpu.memref_slice %arg6[%dma_start3A_318, %dma_start3A_319] : memref<1024x32xf32, #tpu.memory_space<vmem>> -> memref<128x32xf32, #tpu.memory_space<vmem>>
      tpu.enqueue_dma source(%dma_start3A_320 : memref<128x32xf32, #tpu.memory_space<vmem>>) target(%dma_start3A_317 : memref<128x32xf32, #tpu.memory_space<hbm>>) target_semaphore(%arg9 : memref<!tpu.dma_semaphore, #tpu.memory_space<semaphore_mem>>)
      %mul3A_321 = arith.constant 4 : i32
      %mul3A_322 = arith.muli %add3A_274, %mul3A_321 : i32
      %add3A_323 = arith.addi %mul3A_2, %mul3A_322 : i32
      %add3A_324 = arith.constant 2 : i32
      %add3A_325 = arith.addi %add3A_323, %add3A_324 : i32
      %mul3A_326 = arith.constant 128 : i32
      %mul3A_327 = arith.muli %add3A_325, %mul3A_326 : i32
      %dma_start3A_328 = arith.constant 256 : i32
      %dma_start3A_329 = arith.constant 0 : i32
      %dma_start3A_330 = tpu.memref_slice %arg6[%dma_start3A_328, %dma_start3A_329] : memref<1024x32xf32, #tpu.memory_space<vmem>> -> memref<128x32xf32, #tpu.memory_space<vmem>>
      %dma_start3A_331 = arith.constant 0 : i32
      %dma_start3A_332 = tpu.memref_slice %arg4[%mul3A_327, %dma_start3A_331] : memref<425984x32xf32, #tpu.memory_space<hbm>> -> memref<128x32xf32, #tpu.memory_space<hbm>>
      %dma_start3A_333 = arith.constant 0 : i32
      %dma_start3A_334 = tpu.memref_slice %arg4[%mul3A_327, %dma_start3A_333] : memref<425984x32xf32, #tpu.memory_space<hbm>> -> memref<128x32xf32, #tpu.memory_space<hbm>>
      %dma_start3A_335 = arith.constant 256 : i32
      %dma_start3A_336 = arith.constant 0 : i32
      %dma_start3A_337 = tpu.memref_slice %arg6[%dma_start3A_335, %dma_start3A_336] : memref<1024x32xf32, #tpu.memory_space<vmem>> -> memref<128x32xf32, #tpu.memory_space<vmem>>
      tpu.enqueue_dma source(%dma_start3A_337 : memref<128x32xf32, #tpu.memory_space<vmem>>) target(%dma_start3A_334 : memref<128x32xf32, #tpu.memory_space<hbm>>) target_semaphore(%arg9 : memref<!tpu.dma_semaphore, #tpu.memory_space<semaphore_mem>>)
      %mul3A_338 = arith.constant 4 : i32
      %mul3A_339 = arith.muli %add3A_274, %mul3A_338 : i32
      %add3A_340 = arith.addi %mul3A_2, %mul3A_339 : i32
      %add3A_341 = arith.constant 3 : i32
      %add3A_342 = arith.addi %add3A_340, %add3A_341 : i32
      %mul3A_343 = arith.constant 128 : i32
      %mul3A_344 = arith.muli %add3A_342, %mul3A_343 : i32
      %dma_start3A_345 = arith.constant 384 : i32
      %dma_start3A_346 = arith.constant 0 : i32
      %dma_start3A_347 = tpu.memref_slice %arg6[%dma_start3A_345, %dma_start3A_346] : memref<1024x32xf32, #tpu.memory_space<vmem>> -> memref<128x32xf32, #tpu.memory_space<vmem>>
      %dma_start3A_348 = arith.constant 0 : i32
      %dma_start3A_349 = tpu.memref_slice %arg4[%mul3A_344, %dma_start3A_348] : memref<425984x32xf32, #tpu.memory_space<hbm>> -> memref<128x32xf32, #tpu.memory_space<hbm>>
      %dma_start3A_350 = arith.constant 0 : i32
      %dma_start3A_351 = tpu.memref_slice %arg4[%mul3A_344, %dma_start3A_350] : memref<425984x32xf32, #tpu.memory_space<hbm>> -> memref<128x32xf32, #tpu.memory_space<hbm>>
      %dma_start3A_352 = arith.constant 384 : i32
      %dma_start3A_353 = arith.constant 0 : i32
      %dma_start3A_354 = tpu.memref_slice %arg6[%dma_start3A_352, %dma_start3A_353] : memref<1024x32xf32, #tpu.memory_space<vmem>> -> memref<128x32xf32, #tpu.memory_space<vmem>>
      tpu.enqueue_dma source(%dma_start3A_354 : memref<128x32xf32, #tpu.memory_space<vmem>>) target(%dma_start3A_351 : memref<128x32xf32, #tpu.memory_space<hbm>>) target_semaphore(%arg9 : memref<!tpu.dma_semaphore, #tpu.memory_space<semaphore_mem>>)
      %dma_wait3A_355 = arith.constant 0 : i32
      %dma_wait3A_356 = arith.constant 0 : i32
      %dma_wait3A_357 = tpu.memref_slice %arg6[%dma_wait3A_355, %dma_wait3A_356] : memref<1024x32xf32, #tpu.memory_space<vmem>> -> memref<512x32xf32, #tpu.memory_space<vmem>>
      %dma_wait3A_358 = arith.constant 0 : i32
      %dma_wait3A_359 = arith.constant 0 : i32
      %dma_wait3A_360 = tpu.memref_slice %arg4[%dma_wait3A_358, %dma_wait3A_359] : memref<425984x32xf32, #tpu.memory_space<hbm>> -> memref<512x32xf32, #tpu.memory_space<hbm>>
      %dma_wait3A_361 = arith.constant 0 : i32
      %dma_wait3A_362 = arith.constant 0 : i32
      %dma_wait3A_363 = tpu.memref_slice %arg4[%dma_wait3A_361, %dma_wait3A_362] : memref<425984x32xf32, #tpu.memory_space<hbm>> -> memref<512x32xf32, #tpu.memory_space<hbm>>
      %dma_wait3A_364 = arith.constant 0 : i32
      %dma_wait3A_365 = arith.constant 0 : i32
      %dma_wait3A_366 = tpu.memref_slice %arg6[%dma_wait3A_364, %dma_wait3A_365] : memref<1024x32xf32, #tpu.memory_space<vmem>> -> memref<512x32xf32, #tpu.memory_space<vmem>>
      tpu.wait_dma2 semaphore(%arg9 : memref<!tpu.dma_semaphore, #tpu.memory_space<semaphore_mem>>) src(%dma_wait3A_366 : memref<512x32xf32, #tpu.memory_space<vmem>>) dst(%dma_wait3A_363 : memref<512x32xf32, #tpu.memory_space<hbm>>)
      %add3A_367 = arith.constant 2 : i32
      %add3A_368 = arith.addi %add3A_274, %add3A_367 : i32
      %mul3A_369 = arith.constant 4 : i32
      %mul3A_370 = arith.muli %add3A_368, %mul3A_369 : i32
      %add3A_371 = arith.constant 0 : i32
      %add3A_372 = arith.addi %mul3A_370, %add3A_371 : i32
      %dma_start3A_373 = arith.constant 0 : i32
      %dma_start3A_374 = arith.constant 0 : i32
      %dma_start3A_375 = tpu.memref_slice %arg6[%dma_start3A_373, %dma_start3A_374] : memref<1024x32xf32, #tpu.memory_space<vmem>> -> memref<128x32xf32, #tpu.memory_space<vmem>>
      %dma_start3A_376 = arith.constant 0 : i32
      %dma_start3A_377 = tpu.memref_slice %arg5[%add3A_372, %dma_start3A_376] : memref<104x128xi32, #tpu.memory_space<vmem>> -> memref<1x128xi32, #tpu.memory_space<vmem>>
      %dma_start3A_378 = tpu.memref_squeeze %dma_start3A_377 : memref<1x128xi32, #tpu.memory_space<vmem>> -> memref<128xi32, #tpu.memory_space<vmem>>
      %dma_start3A_379 = arith.constant 0 : i32
      %dma_start3A_380 = arith.constant 0 : i32
      %dma_start3A_381 = tpu.memref_slice %arg3[%dma_start3A_379, %dma_start3A_380] : memref<10400000x32xf32, #tpu.memory_space<hbm>> -> memref<10400000x32xf32, #tpu.memory_space<hbm>>
      tpu.enqueue_indirect_dma source(%dma_start3A_381 : memref<10400000x32xf32, #tpu.memory_space<hbm>>) target(%dma_start3A_375 : memref<128x32xf32, #tpu.memory_space<vmem>>) offsets(%dma_start3A_378 : memref<128xi32, #tpu.memory_space<vmem>>) semaphore(%arg7 : memref<!tpu.dma_semaphore, #tpu.memory_space<semaphore_mem>>)
      %mul3A_382 = arith.constant 4 : i32
      %mul3A_383 = arith.muli %add3A_368, %mul3A_382 : i32
      %add3A_384 = arith.constant 1 : i32
      %add3A_385 = arith.addi %mul3A_383, %add3A_384 : i32
      %dma_start3A_386 = arith.constant 128 : i32
      %dma_start3A_387 = arith.constant 0 : i32
      %dma_start3A_388 = tpu.memref_slice %arg6[%dma_start3A_386, %dma_start3A_387] : memref<1024x32xf32, #tpu.memory_space<vmem>> -> memref<128x32xf32, #tpu.memory_space<vmem>>
      %dma_start3A_389 = arith.constant 0 : i32
      %dma_start3A_390 = tpu.memref_slice %arg5[%add3A_385, %dma_start3A_389] : memref<104x128xi32, #tpu.memory_space<vmem>> -> memref<1x128xi32, #tpu.memory_space<vmem>>
      %dma_start3A_391 = tpu.memref_squeeze %dma_start3A_390 : memref<1x128xi32, #tpu.memory_space<vmem>> -> memref<128xi32, #tpu.memory_space<vmem>>
      %dma_start3A_392 = arith.constant 0 : i32
      %dma_start3A_393 = arith.constant 0 : i32
      %dma_start3A_394 = tpu.memref_slice %arg3[%dma_start3A_392, %dma_start3A_393] : memref<10400000x32xf32, #tpu.memory_space<hbm>> -> memref<10400000x32xf32, #tpu.memory_space<hbm>>
      tpu.enqueue_indirect_dma source(%dma_start3A_394 : memref<10400000x32xf32, #tpu.memory_space<hbm>>) target(%dma_start3A_388 : memref<128x32xf32, #tpu.memory_space<vmem>>) offsets(%dma_start3A_391 : memref<128xi32, #tpu.memory_space<vmem>>) semaphore(%arg7 : memref<!tpu.dma_semaphore, #tpu.memory_space<semaphore_mem>>)
      %mul3A_395 = arith.constant 4 : i32
      %mul3A_396 = arith.muli %add3A_368, %mul3A_395 : i32
      %add3A_397 = arith.constant 2 : i32
      %add3A_398 = arith.addi %mul3A_396, %add3A_397 : i32
      %dma_start3A_399 = arith.constant 256 : i32
      %dma_start3A_400 = arith.constant 0 : i32
      %dma_start3A_401 = tpu.memref_slice %arg6[%dma_start3A_399, %dma_start3A_400] : memref<1024x32xf32, #tpu.memory_space<vmem>> -> memref<128x32xf32, #tpu.memory_space<vmem>>
      %dma_start3A_402 = arith.constant 0 : i32
      %dma_start3A_403 = tpu.memref_slice %arg5[%add3A_398, %dma_start3A_402] : memref<104x128xi32, #tpu.memory_space<vmem>> -> memref<1x128xi32, #tpu.memory_space<vmem>>
      %dma_start3A_404 = tpu.memref_squeeze %dma_start3A_403 : memref<1x128xi32, #tpu.memory_space<vmem>> -> memref<128xi32, #tpu.memory_space<vmem>>
      %dma_start3A_405 = arith.constant 0 : i32
      %dma_start3A_406 = arith.constant 0 : i32
      %dma_start3A_407 = tpu.memref_slice %arg3[%dma_start3A_405, %dma_start3A_406] : memref<10400000x32xf32, #tpu.memory_space<hbm>> -> memref<10400000x32xf32, #tpu.memory_space<hbm>>
      tpu.enqueue_indirect_dma source(%dma_start3A_407 : memref<10400000x32xf32, #tpu.memory_space<hbm>>) target(%dma_start3A_401 : memref<128x32xf32, #tpu.memory_space<vmem>>) offsets(%dma_start3A_404 : memref<128xi32, #tpu.memory_space<vmem>>) semaphore(%arg7 : memref<!tpu.dma_semaphore, #tpu.memory_space<semaphore_mem>>)
      %mul3A_408 = arith.constant 4 : i32
      %mul3A_409 = arith.muli %add3A_368, %mul3A_408 : i32
      %add3A_410 = arith.constant 3 : i32
      %add3A_411 = arith.addi %mul3A_409, %add3A_410 : i32
      %dma_start3A_412 = arith.constant 384 : i32
      %dma_start3A_413 = arith.constant 0 : i32
      %dma_start3A_414 = tpu.memref_slice %arg6[%dma_start3A_412, %dma_start3A_413] : memref<1024x32xf32, #tpu.memory_space<vmem>> -> memref<128x32xf32, #tpu.memory_space<vmem>>
      %dma_start3A_415 = arith.constant 0 : i32
      %dma_start3A_416 = tpu.memref_slice %arg5[%add3A_411, %dma_start3A_415] : memref<104x128xi32, #tpu.memory_space<vmem>> -> memref<1x128xi32, #tpu.memory_space<vmem>>
      %dma_start3A_417 = tpu.memref_squeeze %dma_start3A_416 : memref<1x128xi32, #tpu.memory_space<vmem>> -> memref<128xi32, #tpu.memory_space<vmem>>
      %dma_start3A_418 = arith.constant 0 : i32
      %dma_start3A_419 = arith.constant 0 : i32
      %dma_start3A_420 = tpu.memref_slice %arg3[%dma_start3A_418, %dma_start3A_419] : memref<10400000x32xf32, #tpu.memory_space<hbm>> -> memref<10400000x32xf32, #tpu.memory_space<hbm>>
      tpu.enqueue_indirect_dma source(%dma_start3A_420 : memref<10400000x32xf32, #tpu.memory_space<hbm>>) target(%dma_start3A_414 : memref<128x32xf32, #tpu.memory_space<vmem>>) offsets(%dma_start3A_417 : memref<128xi32, #tpu.memory_space<vmem>>) semaphore(%arg7 : memref<!tpu.dma_semaphore, #tpu.memory_space<semaphore_mem>>)
      %mul3A_421 = arith.constant 2 : i32
      %mul3A_422 = arith.muli %mul3A_421, %add3A_270 : i32
      %add3A_423 = arith.constant 1 : i32
      %add3A_424 = arith.addi %mul3A_422, %add3A_423 : i32
      %dma_wait3A_425 = arith.constant 512 : i32
      %dma_wait3A_426 = arith.constant 0 : i32
      %dma_wait3A_427 = tpu.memref_slice %arg6[%dma_wait3A_425, %dma_wait3A_426] : memref<1024x32xf32, #tpu.memory_space<vmem>> -> memref<512x32xf32, #tpu.memory_space<vmem>>
      %dma_wait3A_428 = arith.constant 0 : i32
      %dma_wait3A_429 = arith.constant 0 : i32
      %dma_wait3A_430 = tpu.memref_slice %arg4[%dma_wait3A_428, %dma_wait3A_429] : memref<425984x32xf32, #tpu.memory_space<hbm>> -> memref<512x32xf32, #tpu.memory_space<hbm>>
      %dma_wait3A_431 = arith.constant 512 : i32
      %dma_wait3A_432 = arith.constant 0 : i32
      %dma_wait3A_433 = tpu.memref_slice %arg6[%dma_wait3A_431, %dma_wait3A_432] : memref<1024x32xf32, #tpu.memory_space<vmem>> -> memref<512x32xf32, #tpu.memory_space<vmem>>
      %dma_wait3A_434 = arith.constant 0 : i32
      %dma_wait3A_435 = arith.constant 0 : i32
      %dma_wait3A_436 = tpu.memref_slice %arg4[%dma_wait3A_434, %dma_wait3A_435] : memref<425984x32xf32, #tpu.memory_space<hbm>> -> memref<512x32xf32, #tpu.memory_space<hbm>>
      tpu.wait_dma2 semaphore(%arg8 : memref<!tpu.dma_semaphore, #tpu.memory_space<semaphore_mem>>) src(%dma_wait3A_436 : memref<512x32xf32, #tpu.memory_space<hbm>>) dst(%dma_wait3A_433 : memref<512x32xf32, #tpu.memory_space<vmem>>)
      %mul3A_437 = arith.constant 4 : i32
      %mul3A_438 = arith.muli %add3A_424, %mul3A_437 : i32
      %add3A_439 = arith.addi %mul3A_2, %mul3A_438 : i32
      %add3A_440 = arith.constant 0 : i32
      %add3A_441 = arith.addi %add3A_439, %add3A_440 : i32
      %mul3A_442 = arith.constant 128 : i32
      %mul3A_443 = arith.muli %add3A_441, %mul3A_442 : i32
      %dma_start3A_444 = arith.constant 512 : i32
      %dma_start3A_445 = arith.constant 0 : i32
      %dma_start3A_446 = tpu.memref_slice %arg6[%dma_start3A_444, %dma_start3A_445] : memref<1024x32xf32, #tpu.memory_space<vmem>> -> memref<128x32xf32, #tpu.memory_space<vmem>>
      %dma_start3A_447 = arith.constant 0 : i32
      %dma_start3A_448 = tpu.memref_slice %arg4[%mul3A_443, %dma_start3A_447] : memref<425984x32xf32, #tpu.memory_space<hbm>> -> memref<128x32xf32, #tpu.memory_space<hbm>>
      %dma_start3A_449 = arith.constant 0 : i32
      %dma_start3A_450 = tpu.memref_slice %arg4[%mul3A_443, %dma_start3A_449] : memref<425984x32xf32, #tpu.memory_space<hbm>> -> memref<128x32xf32, #tpu.memory_space<hbm>>
      %dma_start3A_451 = arith.constant 512 : i32
      %dma_start3A_452 = arith.constant 0 : i32
      %dma_start3A_453 = tpu.memref_slice %arg6[%dma_start3A_451, %dma_start3A_452] : memref<1024x32xf32, #tpu.memory_space<vmem>> -> memref<128x32xf32, #tpu.memory_space<vmem>>
      tpu.enqueue_dma source(%dma_start3A_453 : memref<128x32xf32, #tpu.memory_space<vmem>>) target(%dma_start3A_450 : memref<128x32xf32, #tpu.memory_space<hbm>>) target_semaphore(%arg10 : memref<!tpu.dma_semaphore, #tpu.memory_space<semaphore_mem>>)
      %mul3A_454 = arith.constant 4 : i32
      %mul3A_455 = arith.muli %add3A_424, %mul3A_454 : i32
      %add3A_456 = arith.addi %mul3A_2, %mul3A_455 : i32
      %add3A_457 = arith.constant 1 : i32
      %add3A_458 = arith.addi %add3A_456, %add3A_457 : i32
      %mul3A_459 = arith.constant 128 : i32
      %mul3A_460 = arith.muli %add3A_458, %mul3A_459 : i32
      %dma_start3A_461 = arith.constant 640 : i32
      %dma_start3A_462 = arith.constant 0 : i32
      %dma_start3A_463 = tpu.memref_slice %arg6[%dma_start3A_461, %dma_start3A_462] : memref<1024x32xf32, #tpu.memory_space<vmem>> -> memref<128x32xf32, #tpu.memory_space<vmem>>
      %dma_start3A_464 = arith.constant 0 : i32
      %dma_start3A_465 = tpu.memref_slice %arg4[%mul3A_460, %dma_start3A_464] : memref<425984x32xf32, #tpu.memory_space<hbm>> -> memref<128x32xf32, #tpu.memory_space<hbm>>
      %dma_start3A_466 = arith.constant 0 : i32
      %dma_start3A_467 = tpu.memref_slice %arg4[%mul3A_460, %dma_start3A_466] : memref<425984x32xf32, #tpu.memory_space<hbm>> -> memref<128x32xf32, #tpu.memory_space<hbm>>
      %dma_start3A_468 = arith.constant 640 : i32
      %dma_start3A_469 = arith.constant 0 : i32
      %dma_start3A_470 = tpu.memref_slice %arg6[%dma_start3A_468, %dma_start3A_469] : memref<1024x32xf32, #tpu.memory_space<vmem>> -> memref<128x32xf32, #tpu.memory_space<vmem>>
      tpu.enqueue_dma source(%dma_start3A_470 : memref<128x32xf32, #tpu.memory_space<vmem>>) target(%dma_start3A_467 : memref<128x32xf32, #tpu.memory_space<hbm>>) target_semaphore(%arg10 : memref<!tpu.dma_semaphore, #tpu.memory_space<semaphore_mem>>)
      %mul3A_471 = arith.constant 4 : i32
      %mul3A_472 = arith.muli %add3A_424, %mul3A_471 : i32
      %add3A_473 = arith.addi %mul3A_2, %mul3A_472 : i32
      %add3A_474 = arith.constant 2 : i32
      %add3A_475 = arith.addi %add3A_473, %add3A_474 : i32
      %mul3A_476 = arith.constant 128 : i32
      %mul3A_477 = arith.muli %add3A_475, %mul3A_476 : i32
      %dma_start3A_478 = arith.constant 768 : i32
      %dma_start3A_479 = arith.constant 0 : i32
      %dma_start3A_480 = tpu.memref_slice %arg6[%dma_start3A_478, %dma_start3A_479] : memref<1024x32xf32, #tpu.memory_space<vmem>> -> memref<128x32xf32, #tpu.memory_space<vmem>>
      %dma_start3A_481 = arith.constant 0 : i32
      %dma_start3A_482 = tpu.memref_slice %arg4[%mul3A_477, %dma_start3A_481] : memref<425984x32xf32, #tpu.memory_space<hbm>> -> memref<128x32xf32, #tpu.memory_space<hbm>>
      %dma_start3A_483 = arith.constant 0 : i32
      %dma_start3A_484 = tpu.memref_slice %arg4[%mul3A_477, %dma_start3A_483] : memref<425984x32xf32, #tpu.memory_space<hbm>> -> memref<128x32xf32, #tpu.memory_space<hbm>>
      %dma_start3A_485 = arith.constant 768 : i32
      %dma_start3A_486 = arith.constant 0 : i32
      %dma_start3A_487 = tpu.memref_slice %arg6[%dma_start3A_485, %dma_start3A_486] : memref<1024x32xf32, #tpu.memory_space<vmem>> -> memref<128x32xf32, #tpu.memory_space<vmem>>
      tpu.enqueue_dma source(%dma_start3A_487 : memref<128x32xf32, #tpu.memory_space<vmem>>) target(%dma_start3A_484 : memref<128x32xf32, #tpu.memory_space<hbm>>) target_semaphore(%arg10 : memref<!tpu.dma_semaphore, #tpu.memory_space<semaphore_mem>>)
      %mul3A_488 = arith.constant 4 : i32
      %mul3A_489 = arith.muli %add3A_424, %mul3A_488 : i32
      %add3A_490 = arith.addi %mul3A_2, %mul3A_489 : i32
      %add3A_491 = arith.constant 3 : i32
      %add3A_492 = arith.addi %add3A_490, %add3A_491 : i32
      %mul3A_493 = arith.constant 128 : i32
      %mul3A_494 = arith.muli %add3A_492, %mul3A_493 : i32
      %dma_start3A_495 = arith.constant 896 : i32
      %dma_start3A_496 = arith.constant 0 : i32
      %dma_start3A_497 = tpu.memref_slice %arg6[%dma_start3A_495, %dma_start3A_496] : memref<1024x32xf32, #tpu.memory_space<vmem>> -> memref<128x32xf32, #tpu.memory_space<vmem>>
      %dma_start3A_498 = arith.constant 0 : i32
      %dma_start3A_499 = tpu.memref_slice %arg4[%mul3A_494, %dma_start3A_498] : memref<425984x32xf32, #tpu.memory_space<hbm>> -> memref<128x32xf32, #tpu.memory_space<hbm>>
      %dma_start3A_500 = arith.constant 0 : i32
      %dma_start3A_501 = tpu.memref_slice %arg4[%mul3A_494, %dma_start3A_500] : memref<425984x32xf32, #tpu.memory_space<hbm>> -> memref<128x32xf32, #tpu.memory_space<hbm>>
      %dma_start3A_502 = arith.constant 896 : i32
      %dma_start3A_503 = arith.constant 0 : i32
      %dma_start3A_504 = tpu.memref_slice %arg6[%dma_start3A_502, %dma_start3A_503] : memref<1024x32xf32, #tpu.memory_space<vmem>> -> memref<128x32xf32, #tpu.memory_space<vmem>>
      tpu.enqueue_dma source(%dma_start3A_504 : memref<128x32xf32, #tpu.memory_space<vmem>>) target(%dma_start3A_501 : memref<128x32xf32, #tpu.memory_space<hbm>>) target_semaphore(%arg10 : memref<!tpu.dma_semaphore, #tpu.memory_space<semaphore_mem>>)
      %dma_wait3A_505 = arith.constant 512 : i32
      %dma_wait3A_506 = arith.constant 0 : i32
      %dma_wait3A_507 = tpu.memref_slice %arg6[%dma_wait3A_505, %dma_wait3A_506] : memref<1024x32xf32, #tpu.memory_space<vmem>> -> memref<512x32xf32, #tpu.memory_space<vmem>>
      %dma_wait3A_508 = arith.constant 0 : i32
      %dma_wait3A_509 = arith.constant 0 : i32
      %dma_wait3A_510 = tpu.memref_slice %arg4[%dma_wait3A_508, %dma_wait3A_509] : memref<425984x32xf32, #tpu.memory_space<hbm>> -> memref<512x32xf32, #tpu.memory_space<hbm>>
      %dma_wait3A_511 = arith.constant 0 : i32
      %dma_wait3A_512 = arith.constant 0 : i32
      %dma_wait3A_513 = tpu.memref_slice %arg4[%dma_wait3A_511, %dma_wait3A_512] : memref<425984x32xf32, #tpu.memory_space<hbm>> -> memref<512x32xf32, #tpu.memory_space<hbm>>
      %dma_wait3A_514 = arith.constant 512 : i32
      %dma_wait3A_515 = arith.constant 0 : i32
      %dma_wait3A_516 = tpu.memref_slice %arg6[%dma_wait3A_514, %dma_wait3A_515] : memref<1024x32xf32, #tpu.memory_space<vmem>> -> memref<512x32xf32, #tpu.memory_space<vmem>>
      tpu.wait_dma2 semaphore(%arg10 : memref<!tpu.dma_semaphore, #tpu.memory_space<semaphore_mem>>) src(%dma_wait3A_516 : memref<512x32xf32, #tpu.memory_space<vmem>>) dst(%dma_wait3A_513 : memref<512x32xf32, #tpu.memory_space<hbm>>)
      %add3A_517 = arith.constant 2 : i32
      %add3A_518 = arith.addi %add3A_424, %add3A_517 : i32
      %mul3A_519 = arith.constant 4 : i32
      %mul3A_520 = arith.muli %add3A_518, %mul3A_519 : i32
      %add3A_521 = arith.constant 0 : i32
      %add3A_522 = arith.addi %mul3A_520, %add3A_521 : i32
      %dma_start3A_523 = arith.constant 512 : i32
      %dma_start3A_524 = arith.constant 0 : i32
      %dma_start3A_525 = tpu.memref_slice %arg6[%dma_start3A_523, %dma_start3A_524] : memref<1024x32xf32, #tpu.memory_space<vmem>> -> memref<128x32xf32, #tpu.memory_space<vmem>>
      %dma_start3A_526 = arith.constant 0 : i32
      %dma_start3A_527 = tpu.memref_slice %arg5[%add3A_522, %dma_start3A_526] : memref<104x128xi32, #tpu.memory_space<vmem>> -> memref<1x128xi32, #tpu.memory_space<vmem>>
      %dma_start3A_528 = tpu.memref_squeeze %dma_start3A_527 : memref<1x128xi32, #tpu.memory_space<vmem>> -> memref<128xi32, #tpu.memory_space<vmem>>
      %dma_start3A_529 = arith.constant 0 : i32
      %dma_start3A_530 = arith.constant 0 : i32
      %dma_start3A_531 = tpu.memref_slice %arg3[%dma_start3A_529, %dma_start3A_530] : memref<10400000x32xf32, #tpu.memory_space<hbm>> -> memref<10400000x32xf32, #tpu.memory_space<hbm>>
      tpu.enqueue_indirect_dma source(%dma_start3A_531 : memref<10400000x32xf32, #tpu.memory_space<hbm>>) target(%dma_start3A_525 : memref<128x32xf32, #tpu.memory_space<vmem>>) offsets(%dma_start3A_528 : memref<128xi32, #tpu.memory_space<vmem>>) semaphore(%arg8 : memref<!tpu.dma_semaphore, #tpu.memory_space<semaphore_mem>>)
      %mul3A_532 = arith.constant 4 : i32
      %mul3A_533 = arith.muli %add3A_518, %mul3A_532 : i32
      %add3A_534 = arith.constant 1 : i32
      %add3A_535 = arith.addi %mul3A_533, %add3A_534 : i32
      %dma_start3A_536 = arith.constant 640 : i32
      %dma_start3A_537 = arith.constant 0 : i32
      %dma_start3A_538 = tpu.memref_slice %arg6[%dma_start3A_536, %dma_start3A_537] : memref<1024x32xf32, #tpu.memory_space<vmem>> -> memref<128x32xf32, #tpu.memory_space<vmem>>
      %dma_start3A_539 = arith.constant 0 : i32
      %dma_start3A_540 = tpu.memref_slice %arg5[%add3A_535, %dma_start3A_539] : memref<104x128xi32, #tpu.memory_space<vmem>> -> memref<1x128xi32, #tpu.memory_space<vmem>>
      %dma_start3A_541 = tpu.memref_squeeze %dma_start3A_540 : memref<1x128xi32, #tpu.memory_space<vmem>> -> memref<128xi32, #tpu.memory_space<vmem>>
      %dma_start3A_542 = arith.constant 0 : i32
      %dma_start3A_543 = arith.constant 0 : i32
      %dma_start3A_544 = tpu.memref_slice %arg3[%dma_start3A_542, %dma_start3A_543] : memref<10400000x32xf32, #tpu.memory_space<hbm>> -> memref<10400000x32xf32, #tpu.memory_space<hbm>>
      tpu.enqueue_indirect_dma source(%dma_start3A_544 : memref<10400000x32xf32, #tpu.memory_space<hbm>>) target(%dma_start3A_538 : memref<128x32xf32, #tpu.memory_space<vmem>>) offsets(%dma_start3A_541 : memref<128xi32, #tpu.memory_space<vmem>>) semaphore(%arg8 : memref<!tpu.dma_semaphore, #tpu.memory_space<semaphore_mem>>)
      %mul3A_545 = arith.constant 4 : i32
      %mul3A_546 = arith.muli %add3A_518, %mul3A_545 : i32
      %add3A_547 = arith.constant 2 : i32
      %add3A_548 = arith.addi %mul3A_546, %add3A_547 : i32
      %dma_start3A_549 = arith.constant 768 : i32
      %dma_start3A_550 = arith.constant 0 : i32
      %dma_start3A_551 = tpu.memref_slice %arg6[%dma_start3A_549, %dma_start3A_550] : memref<1024x32xf32, #tpu.memory_space<vmem>> -> memref<128x32xf32, #tpu.memory_space<vmem>>
      %dma_start3A_552 = arith.constant 0 : i32
      %dma_start3A_553 = tpu.memref_slice %arg5[%add3A_548, %dma_start3A_552] : memref<104x128xi32, #tpu.memory_space<vmem>> -> memref<1x128xi32, #tpu.memory_space<vmem>>
      %dma_start3A_554 = tpu.memref_squeeze %dma_start3A_553 : memref<1x128xi32, #tpu.memory_space<vmem>> -> memref<128xi32, #tpu.memory_space<vmem>>
      %dma_start3A_555 = arith.constant 0 : i32
      %dma_start3A_556 = arith.constant 0 : i32
      %dma_start3A_557 = tpu.memref_slice %arg3[%dma_start3A_555, %dma_start3A_556] : memref<10400000x32xf32, #tpu.memory_space<hbm>> -> memref<10400000x32xf32, #tpu.memory_space<hbm>>
      tpu.enqueue_indirect_dma source(%dma_start3A_557 : memref<10400000x32xf32, #tpu.memory_space<hbm>>) target(%dma_start3A_551 : memref<128x32xf32, #tpu.memory_space<vmem>>) offsets(%dma_start3A_554 : memref<128xi32, #tpu.memory_space<vmem>>) semaphore(%arg8 : memref<!tpu.dma_semaphore, #tpu.memory_space<semaphore_mem>>)
      %mul3A_558 = arith.constant 4 : i32
      %mul3A_559 = arith.muli %add3A_518, %mul3A_558 : i32
      %add3A_560 = arith.constant 3 : i32
      %add3A_561 = arith.addi %mul3A_559, %add3A_560 : i32
      %dma_start3A_562 = arith.constant 896 : i32
      %dma_start3A_563 = arith.constant 0 : i32
      %dma_start3A_564 = tpu.memref_slice %arg6[%dma_start3A_562, %dma_start3A_563] : memref<1024x32xf32, #tpu.memory_space<vmem>> -> memref<128x32xf32, #tpu.memory_space<vmem>>
      %dma_start3A_565 = arith.constant 0 : i32
      %dma_start3A_566 = tpu.memref_slice %arg5[%add3A_561, %dma_start3A_565] : memref<104x128xi32, #tpu.memory_space<vmem>> -> memref<1x128xi32, #tpu.memory_space<vmem>>
      %dma_start3A_567 = tpu.memref_squeeze %dma_start3A_566 : memref<1x128xi32, #tpu.memory_space<vmem>> -> memref<128xi32, #tpu.memory_space<vmem>>
      %dma_start3A_568 = arith.constant 0 : i32
      %dma_start3A_569 = arith.constant 0 : i32
      %dma_start3A_570 = tpu.memref_slice %arg3[%dma_start3A_568, %dma_start3A_569] : memref<10400000x32xf32, #tpu.memory_space<hbm>> -> memref<10400000x32xf32, #tpu.memory_space<hbm>>
      tpu.enqueue_indirect_dma source(%dma_start3A_570 : memref<10400000x32xf32, #tpu.memory_space<hbm>>) target(%dma_start3A_564 : memref<128x32xf32, #tpu.memory_space<vmem>>) offsets(%dma_start3A_567 : memref<128xi32, #tpu.memory_space<vmem>>) semaphore(%arg8 : memref<!tpu.dma_semaphore, #tpu.memory_space<semaphore_mem>>)
    }
    %scan3A_90 = arith.constant 12 : i32
    %dma_wait3A = arith.constant 0 : i32
    %dma_wait3A_91 = arith.constant 0 : i32
    %dma_wait3A_92 = tpu.memref_slice %arg6[%dma_wait3A, %dma_wait3A_91] : memref<1024x32xf32, #tpu.memory_space<vmem>> -> memref<512x32xf32, #tpu.memory_space<vmem>>
    %dma_wait3A_93 = arith.constant 0 : i32
    %dma_wait3A_94 = arith.constant 0 : i32
    %dma_wait3A_95 = tpu.memref_slice %arg4[%dma_wait3A_93, %dma_wait3A_94] : memref<425984x32xf32, #tpu.memory_space<hbm>> -> memref<512x32xf32, #tpu.memory_space<hbm>>
    %dma_wait3A_96 = arith.constant 0 : i32
    %dma_wait3A_97 = arith.constant 0 : i32
    %dma_wait3A_98 = tpu.memref_slice %arg6[%dma_wait3A_96, %dma_wait3A_97] : memref<1024x32xf32, #tpu.memory_space<vmem>> -> memref<512x32xf32, #tpu.memory_space<vmem>>
    %dma_wait3A_99 = arith.constant 0 : i32
    %dma_wait3A_100 = arith.constant 0 : i32
    %dma_wait3A_101 = tpu.memref_slice %arg4[%dma_wait3A_99, %dma_wait3A_100] : memref<425984x32xf32, #tpu.memory_space<hbm>> -> memref<512x32xf32, #tpu.memory_space<hbm>>
    tpu.wait_dma2 semaphore(%arg7 : memref<!tpu.dma_semaphore, #tpu.memory_space<semaphore_mem>>) src(%dma_wait3A_101 : memref<512x32xf32, #tpu.memory_space<hbm>>) dst(%dma_wait3A_98 : memref<512x32xf32, #tpu.memory_space<vmem>>)
    %add3A_102 = arith.constant 96 : i32
    %add3A_103 = arith.addi %mul3A_2, %add3A_102 : i32
    %add3A_104 = arith.constant 0 : i32
    %add3A_105 = arith.addi %add3A_103, %add3A_104 : i32
    %mul3A_106 = arith.constant 128 : i32
    %mul3A_107 = arith.muli %add3A_105, %mul3A_106 : i32
    %dma_start3A_108 = arith.constant 0 : i32
    %dma_start3A_109 = arith.constant 0 : i32
    %dma_start3A_110 = tpu.memref_slice %arg6[%dma_start3A_108, %dma_start3A_109] : memref<1024x32xf32, #tpu.memory_space<vmem>> -> memref<128x32xf32, #tpu.memory_space<vmem>>
    %dma_start3A_111 = arith.constant 0 : i32
    %dma_start3A_112 = tpu.memref_slice %arg4[%mul3A_107, %dma_start3A_111] : memref<425984x32xf32, #tpu.memory_space<hbm>> -> memref<128x32xf32, #tpu.memory_space<hbm>>
    %dma_start3A_113 = arith.constant 0 : i32
    %dma_start3A_114 = tpu.memref_slice %arg4[%mul3A_107, %dma_start3A_113] : memref<425984x32xf32, #tpu.memory_space<hbm>> -> memref<128x32xf32, #tpu.memory_space<hbm>>
    %dma_start3A_115 = arith.constant 0 : i32
    %dma_start3A_116 = arith.constant 0 : i32
    %dma_start3A_117 = tpu.memref_slice %arg6[%dma_start3A_115, %dma_start3A_116] : memref<1024x32xf32, #tpu.memory_space<vmem>> -> memref<128x32xf32, #tpu.memory_space<vmem>>
    tpu.enqueue_dma source(%dma_start3A_117 : memref<128x32xf32, #tpu.memory_space<vmem>>) target(%dma_start3A_114 : memref<128x32xf32, #tpu.memory_space<hbm>>) target_semaphore(%arg9 : memref<!tpu.dma_semaphore, #tpu.memory_space<semaphore_mem>>)
    %add3A_118 = arith.constant 96 : i32
    %add3A_119 = arith.addi %mul3A_2, %add3A_118 : i32
    %add3A_120 = arith.constant 1 : i32
    %add3A_121 = arith.addi %add3A_119, %add3A_120 : i32
    %mul3A_122 = arith.constant 128 : i32
    %mul3A_123 = arith.muli %add3A_121, %mul3A_122 : i32
    %dma_start3A_124 = arith.constant 128 : i32
    %dma_start3A_125 = arith.constant 0 : i32
    %dma_start3A_126 = tpu.memref_slice %arg6[%dma_start3A_124, %dma_start3A_125] : memref<1024x32xf32, #tpu.memory_space<vmem>> -> memref<128x32xf32, #tpu.memory_space<vmem>>
    %dma_start3A_127 = arith.constant 0 : i32
    %dma_start3A_128 = tpu.memref_slice %arg4[%mul3A_123, %dma_start3A_127] : memref<425984x32xf32, #tpu.memory_space<hbm>> -> memref<128x32xf32, #tpu.memory_space<hbm>>
    %dma_start3A_129 = arith.constant 0 : i32
    %dma_start3A_130 = tpu.memref_slice %arg4[%mul3A_123, %dma_start3A_129] : memref<425984x32xf32, #tpu.memory_space<hbm>> -> memref<128x32xf32, #tpu.memory_space<hbm>>
    %dma_start3A_131 = arith.constant 128 : i32
    %dma_start3A_132 = arith.constant 0 : i32
    %dma_start3A_133 = tpu.memref_slice %arg6[%dma_start3A_131, %dma_start3A_132] : memref<1024x32xf32, #tpu.memory_space<vmem>> -> memref<128x32xf32, #tpu.memory_space<vmem>>
    tpu.enqueue_dma source(%dma_start3A_133 : memref<128x32xf32, #tpu.memory_space<vmem>>) target(%dma_start3A_130 : memref<128x32xf32, #tpu.memory_space<hbm>>) target_semaphore(%arg9 : memref<!tpu.dma_semaphore, #tpu.memory_space<semaphore_mem>>)
    %add3A_134 = arith.constant 96 : i32
    %add3A_135 = arith.addi %mul3A_2, %add3A_134 : i32
    %add3A_136 = arith.constant 2 : i32
    %add3A_137 = arith.addi %add3A_135, %add3A_136 : i32
    %mul3A_138 = arith.constant 128 : i32
    %mul3A_139 = arith.muli %add3A_137, %mul3A_138 : i32
    %dma_start3A_140 = arith.constant 256 : i32
    %dma_start3A_141 = arith.constant 0 : i32
    %dma_start3A_142 = tpu.memref_slice %arg6[%dma_start3A_140, %dma_start3A_141] : memref<1024x32xf32, #tpu.memory_space<vmem>> -> memref<128x32xf32, #tpu.memory_space<vmem>>
    %dma_start3A_143 = arith.constant 0 : i32
    %dma_start3A_144 = tpu.memref_slice %arg4[%mul3A_139, %dma_start3A_143] : memref<425984x32xf32, #tpu.memory_space<hbm>> -> memref<128x32xf32, #tpu.memory_space<hbm>>
    %dma_start3A_145 = arith.constant 0 : i32
    %dma_start3A_146 = tpu.memref_slice %arg4[%mul3A_139, %dma_start3A_145] : memref<425984x32xf32, #tpu.memory_space<hbm>> -> memref<128x32xf32, #tpu.memory_space<hbm>>
    %dma_start3A_147 = arith.constant 256 : i32
    %dma_start3A_148 = arith.constant 0 : i32
    %dma_start3A_149 = tpu.memref_slice %arg6[%dma_start3A_147, %dma_start3A_148] : memref<1024x32xf32, #tpu.memory_space<vmem>> -> memref<128x32xf32, #tpu.memory_space<vmem>>
    tpu.enqueue_dma source(%dma_start3A_149 : memref<128x32xf32, #tpu.memory_space<vmem>>) target(%dma_start3A_146 : memref<128x32xf32, #tpu.memory_space<hbm>>) target_semaphore(%arg9 : memref<!tpu.dma_semaphore, #tpu.memory_space<semaphore_mem>>)
    %add3A_150 = arith.constant 96 : i32
    %add3A_151 = arith.addi %mul3A_2, %add3A_150 : i32
    %add3A_152 = arith.constant 3 : i32
    %add3A_153 = arith.addi %add3A_151, %add3A_152 : i32
    %mul3A_154 = arith.constant 128 : i32
    %mul3A_155 = arith.muli %add3A_153, %mul3A_154 : i32
    %dma_start3A_156 = arith.constant 384 : i32
    %dma_start3A_157 = arith.constant 0 : i32
    %dma_start3A_158 = tpu.memref_slice %arg6[%dma_start3A_156, %dma_start3A_157] : memref<1024x32xf32, #tpu.memory_space<vmem>> -> memref<128x32xf32, #tpu.memory_space<vmem>>
    %dma_start3A_159 = arith.constant 0 : i32
    %dma_start3A_160 = tpu.memref_slice %arg4[%mul3A_155, %dma_start3A_159] : memref<425984x32xf32, #tpu.memory_space<hbm>> -> memref<128x32xf32, #tpu.memory_space<hbm>>
    %dma_start3A_161 = arith.constant 0 : i32
    %dma_start3A_162 = tpu.memref_slice %arg4[%mul3A_155, %dma_start3A_161] : memref<425984x32xf32, #tpu.memory_space<hbm>> -> memref<128x32xf32, #tpu.memory_space<hbm>>
    %dma_start3A_163 = arith.constant 384 : i32
    %dma_start3A_164 = arith.constant 0 : i32
    %dma_start3A_165 = tpu.memref_slice %arg6[%dma_start3A_163, %dma_start3A_164] : memref<1024x32xf32, #tpu.memory_space<vmem>> -> memref<128x32xf32, #tpu.memory_space<vmem>>
    tpu.enqueue_dma source(%dma_start3A_165 : memref<128x32xf32, #tpu.memory_space<vmem>>) target(%dma_start3A_162 : memref<128x32xf32, #tpu.memory_space<hbm>>) target_semaphore(%arg9 : memref<!tpu.dma_semaphore, #tpu.memory_space<semaphore_mem>>)
    %dma_wait3A_166 = arith.constant 0 : i32
    %dma_wait3A_167 = arith.constant 0 : i32
    %dma_wait3A_168 = tpu.memref_slice %arg6[%dma_wait3A_166, %dma_wait3A_167] : memref<1024x32xf32, #tpu.memory_space<vmem>> -> memref<512x32xf32, #tpu.memory_space<vmem>>
    %dma_wait3A_169 = arith.constant 0 : i32
    %dma_wait3A_170 = arith.constant 0 : i32
    %dma_wait3A_171 = tpu.memref_slice %arg4[%dma_wait3A_169, %dma_wait3A_170] : memref<425984x32xf32, #tpu.memory_space<hbm>> -> memref<512x32xf32, #tpu.memory_space<hbm>>
    %dma_wait3A_172 = arith.constant 0 : i32
    %dma_wait3A_173 = arith.constant 0 : i32
    %dma_wait3A_174 = tpu.memref_slice %arg4[%dma_wait3A_172, %dma_wait3A_173] : memref<425984x32xf32, #tpu.memory_space<hbm>> -> memref<512x32xf32, #tpu.memory_space<hbm>>
    %dma_wait3A_175 = arith.constant 0 : i32
    %dma_wait3A_176 = arith.constant 0 : i32
    %dma_wait3A_177 = tpu.memref_slice %arg6[%dma_wait3A_175, %dma_wait3A_176] : memref<1024x32xf32, #tpu.memory_space<vmem>> -> memref<512x32xf32, #tpu.memory_space<vmem>>
    tpu.wait_dma2 semaphore(%arg9 : memref<!tpu.dma_semaphore, #tpu.memory_space<semaphore_mem>>) src(%dma_wait3A_177 : memref<512x32xf32, #tpu.memory_space<vmem>>) dst(%dma_wait3A_174 : memref<512x32xf32, #tpu.memory_space<hbm>>)
    %dma_wait3A_178 = arith.constant 512 : i32
    %dma_wait3A_179 = arith.constant 0 : i32
    %dma_wait3A_180 = tpu.memref_slice %arg6[%dma_wait3A_178, %dma_wait3A_179] : memref<1024x32xf32, #tpu.memory_space<vmem>> -> memref<512x32xf32, #tpu.memory_space<vmem>>
    %dma_wait3A_181 = arith.constant 0 : i32
    %dma_wait3A_182 = arith.constant 0 : i32
    %dma_wait3A_183 = tpu.memref_slice %arg4[%dma_wait3A_181, %dma_wait3A_182] : memref<425984x32xf32, #tpu.memory_space<hbm>> -> memref<512x32xf32, #tpu.memory_space<hbm>>
    %dma_wait3A_184 = arith.constant 512 : i32
    %dma_wait3A_185 = arith.constant 0 : i32
    %dma_wait3A_186 = tpu.memref_slice %arg6[%dma_wait3A_184, %dma_wait3A_185] : memref<1024x32xf32, #tpu.memory_space<vmem>> -> memref<512x32xf32, #tpu.memory_space<vmem>>
    %dma_wait3A_187 = arith.constant 0 : i32
    %dma_wait3A_188 = arith.constant 0 : i32
    %dma_wait3A_189 = tpu.memref_slice %arg4[%dma_wait3A_187, %dma_wait3A_188] : memref<425984x32xf32, #tpu.memory_space<hbm>> -> memref<512x32xf32, #tpu.memory_space<hbm>>
    tpu.wait_dma2 semaphore(%arg8 : memref<!tpu.dma_semaphore, #tpu.memory_space<semaphore_mem>>) src(%dma_wait3A_189 : memref<512x32xf32, #tpu.memory_space<hbm>>) dst(%dma_wait3A_186 : memref<512x32xf32, #tpu.memory_space<vmem>>)
    %add3A_190 = arith.constant 100 : i32
    %add3A_191 = arith.addi %mul3A_2, %add3A_190 : i32
    %add3A_192 = arith.constant 0 : i32
    %add3A_193 = arith.addi %add3A_191, %add3A_192 : i32
    %mul3A_194 = arith.constant 128 : i32
    %mul3A_195 = arith.muli %add3A_193, %mul3A_194 : i32
    %dma_start3A_196 = arith.constant 512 : i32
    %dma_start3A_197 = arith.constant 0 : i32
    %dma_start3A_198 = tpu.memref_slice %arg6[%dma_start3A_196, %dma_start3A_197] : memref<1024x32xf32, #tpu.memory_space<vmem>> -> memref<128x32xf32, #tpu.memory_space<vmem>>
    %dma_start3A_199 = arith.constant 0 : i32
    %dma_start3A_200 = tpu.memref_slice %arg4[%mul3A_195, %dma_start3A_199] : memref<425984x32xf32, #tpu.memory_space<hbm>> -> memref<128x32xf32, #tpu.memory_space<hbm>>
    %dma_start3A_201 = arith.constant 0 : i32
    %dma_start3A_202 = tpu.memref_slice %arg4[%mul3A_195, %dma_start3A_201] : memref<425984x32xf32, #tpu.memory_space<hbm>> -> memref<128x32xf32, #tpu.memory_space<hbm>>
    %dma_start3A_203 = arith.constant 512 : i32
    %dma_start3A_204 = arith.constant 0 : i32
    %dma_start3A_205 = tpu.memref_slice %arg6[%dma_start3A_203, %dma_start3A_204] : memref<1024x32xf32, #tpu.memory_space<vmem>> -> memref<128x32xf32, #tpu.memory_space<vmem>>
    tpu.enqueue_dma source(%dma_start3A_205 : memref<128x32xf32, #tpu.memory_space<vmem>>) target(%dma_start3A_202 : memref<128x32xf32, #tpu.memory_space<hbm>>) target_semaphore(%arg10 : memref<!tpu.dma_semaphore, #tpu.memory_space<semaphore_mem>>)
    %add3A_206 = arith.constant 100 : i32
    %add3A_207 = arith.addi %mul3A_2, %add3A_206 : i32
    %add3A_208 = arith.constant 1 : i32
    %add3A_209 = arith.addi %add3A_207, %add3A_208 : i32
    %mul3A_210 = arith.constant 128 : i32
    %mul3A_211 = arith.muli %add3A_209, %mul3A_210 : i32
    %dma_start3A_212 = arith.constant 640 : i32
    %dma_start3A_213 = arith.constant 0 : i32
    %dma_start3A_214 = tpu.memref_slice %arg6[%dma_start3A_212, %dma_start3A_213] : memref<1024x32xf32, #tpu.memory_space<vmem>> -> memref<128x32xf32, #tpu.memory_space<vmem>>
    %dma_start3A_215 = arith.constant 0 : i32
    %dma_start3A_216 = tpu.memref_slice %arg4[%mul3A_211, %dma_start3A_215] : memref<425984x32xf32, #tpu.memory_space<hbm>> -> memref<128x32xf32, #tpu.memory_space<hbm>>
    %dma_start3A_217 = arith.constant 0 : i32
    %dma_start3A_218 = tpu.memref_slice %arg4[%mul3A_211, %dma_start3A_217] : memref<425984x32xf32, #tpu.memory_space<hbm>> -> memref<128x32xf32, #tpu.memory_space<hbm>>
    %dma_start3A_219 = arith.constant 640 : i32
    %dma_start3A_220 = arith.constant 0 : i32
    %dma_start3A_221 = tpu.memref_slice %arg6[%dma_start3A_219, %dma_start3A_220] : memref<1024x32xf32, #tpu.memory_space<vmem>> -> memref<128x32xf32, #tpu.memory_space<vmem>>
    tpu.enqueue_dma source(%dma_start3A_221 : memref<128x32xf32, #tpu.memory_space<vmem>>) target(%dma_start3A_218 : memref<128x32xf32, #tpu.memory_space<hbm>>) target_semaphore(%arg10 : memref<!tpu.dma_semaphore, #tpu.memory_space<semaphore_mem>>)
    %add3A_222 = arith.constant 100 : i32
    %add3A_223 = arith.addi %mul3A_2, %add3A_222 : i32
    %add3A_224 = arith.constant 2 : i32
    %add3A_225 = arith.addi %add3A_223, %add3A_224 : i32
    %mul3A_226 = arith.constant 128 : i32
    %mul3A_227 = arith.muli %add3A_225, %mul3A_226 : i32
    %dma_start3A_228 = arith.constant 768 : i32
    %dma_start3A_229 = arith.constant 0 : i32
    %dma_start3A_230 = tpu.memref_slice %arg6[%dma_start3A_228, %dma_start3A_229] : memref<1024x32xf32, #tpu.memory_space<vmem>> -> memref<128x32xf32, #tpu.memory_space<vmem>>
    %dma_start3A_231 = arith.constant 0 : i32
    %dma_start3A_232 = tpu.memref_slice %arg4[%mul3A_227, %dma_start3A_231] : memref<425984x32xf32, #tpu.memory_space<hbm>> -> memref<128x32xf32, #tpu.memory_space<hbm>>
    %dma_start3A_233 = arith.constant 0 : i32
    %dma_start3A_234 = tpu.memref_slice %arg4[%mul3A_227, %dma_start3A_233] : memref<425984x32xf32, #tpu.memory_space<hbm>> -> memref<128x32xf32, #tpu.memory_space<hbm>>
    %dma_start3A_235 = arith.constant 768 : i32
    %dma_start3A_236 = arith.constant 0 : i32
    %dma_start3A_237 = tpu.memref_slice %arg6[%dma_start3A_235, %dma_start3A_236] : memref<1024x32xf32, #tpu.memory_space<vmem>> -> memref<128x32xf32, #tpu.memory_space<vmem>>
    tpu.enqueue_dma source(%dma_start3A_237 : memref<128x32xf32, #tpu.memory_space<vmem>>) target(%dma_start3A_234 : memref<128x32xf32, #tpu.memory_space<hbm>>) target_semaphore(%arg10 : memref<!tpu.dma_semaphore, #tpu.memory_space<semaphore_mem>>)
    %add3A_238 = arith.constant 100 : i32
    %add3A_239 = arith.addi %mul3A_2, %add3A_238 : i32
    %add3A_240 = arith.constant 3 : i32
    %add3A_241 = arith.addi %add3A_239, %add3A_240 : i32
    %mul3A_242 = arith.constant 128 : i32
    %mul3A_243 = arith.muli %add3A_241, %mul3A_242 : i32
    %dma_start3A_244 = arith.constant 896 : i32
    %dma_start3A_245 = arith.constant 0 : i32
    %dma_start3A_246 = tpu.memref_slice %arg6[%dma_start3A_244, %dma_start3A_245] : memref<1024x32xf32, #tpu.memory_space<vmem>> -> memref<128x32xf32, #tpu.memory_space<vmem>>
    %dma_start3A_247 = arith.constant 0 : i32
    %dma_start3A_248 = tpu.memref_slice %arg4[%mul3A_243, %dma_start3A_247] : memref<425984x32xf32, #tpu.memory_space<hbm>> -> memref<128x32xf32, #tpu.memory_space<hbm>>
    %dma_start3A_249 = arith.constant 0 : i32
    %dma_start3A_250 = tpu.memref_slice %arg4[%mul3A_243, %dma_start3A_249] : memref<425984x32xf32, #tpu.memory_space<hbm>> -> memref<128x32xf32, #tpu.memory_space<hbm>>
    %dma_start3A_251 = arith.constant 896 : i32
    %dma_start3A_252 = arith.constant 0 : i32
    %dma_start3A_253 = tpu.memref_slice %arg6[%dma_start3A_251, %dma_start3A_252] : memref<1024x32xf32, #tpu.memory_space<vmem>> -> memref<128x32xf32, #tpu.memory_space<vmem>>
    tpu.enqueue_dma source(%dma_start3A_253 : memref<128x32xf32, #tpu.memory_space<vmem>>) target(%dma_start3A_250 : memref<128x32xf32, #tpu.memory_space<hbm>>) target_semaphore(%arg10 : memref<!tpu.dma_semaphore, #tpu.memory_space<semaphore_mem>>)
    %dma_wait3A_254 = arith.constant 512 : i32
    %dma_wait3A_255 = arith.constant 0 : i32
    %dma_wait3A_256 = tpu.memref_slice %arg6[%dma_wait3A_254, %dma_wait3A_255] : memref<1024x32xf32, #tpu.memory_space<vmem>> -> memref<512x32xf32, #tpu.memory_space<vmem>>
    %dma_wait3A_257 = arith.constant 0 : i32
    %dma_wait3A_258 = arith.constant 0 : i32
    %dma_wait3A_259 = tpu.memref_slice %arg4[%dma_wait3A_257, %dma_wait3A_258] : memref<425984x32xf32, #tpu.memory_space<hbm>> -> memref<512x32xf32, #tpu.memory_space<hbm>>
    %dma_wait3A_260 = arith.constant 0 : i32
    %dma_wait3A_261 = arith.constant 0 : i32
    %dma_wait3A_262 = tpu.memref_slice %arg4[%dma_wait3A_260, %dma_wait3A_261] : memref<425984x32xf32, #tpu.memory_space<hbm>> -> memref<512x32xf32, #tpu.memory_space<hbm>>
    %dma_wait3A_263 = arith.constant 512 : i32
    %dma_wait3A_264 = arith.constant 0 : i32
    %dma_wait3A_265 = tpu.memref_slice %arg6[%dma_wait3A_263, %dma_wait3A_264] : memref<1024x32xf32, #tpu.memory_space<vmem>> -> memref<512x32xf32, #tpu.memory_space<vmem>>
    tpu.wait_dma2 semaphore(%arg10 : memref<!tpu.dma_semaphore, #tpu.memory_space<semaphore_mem>>) src(%dma_wait3A_265 : memref<512x32xf32, #tpu.memory_space<vmem>>) dst(%dma_wait3A_262 : memref<512x32xf32, #tpu.memory_space<hbm>>)
    return
  }
}

</mosaic_0001>

<sc_bundles>
// kernel: kernel.3.cloned.1.call-start
scs
__scs_entry_jumppad:
0x0: {  	(pc) =	sbr.rel $0x88, $3  }
0x1: {  	(tag) =	ssettag $0x0;
	lr =	simm.s32 $0x1  }
0x2: {  	[smem:$0x3F9F] =	sst lr;
	_ =	strace $0xD0000000  }
0x3: {  	_ = 	snop  }
0x4: {  	_ = 	snop  }
0x5: {  	_ = 	snop  }
0x6: {  	_ = 	snop  }
0x7: {  	_ = 	snop  }
__scs_overlays_trampoline_lowered:
0x8: {  	[smem:$0x3FAE] =	sst s0  }
0x9: {  	[smem:$0x3FAF] =	sst s1  }
0xa: {  	[smem:$0x3FB0] =	sst s2  }
0xb: {  	[smem:$0x3FB1] =	sst s3  }
0xc: {  	[smem:$0x3FB2] =	sst s4  }
0xd: {  	[smem:$0x3FB3] =	sst s5  }
0xe: {  	[smem:$0x3FB4] =	sst s6  }
0xf: {  	[smem:$0x3FB5] =	sst s7  }
0x10: {  	[smem:$0x3FB6] =	sst s8  }
0x11: {  	[smem:$0x3FB7] =	sst s9;
	s0 =	simm.s32 @!p0 $0x0  }
0x12: {  	s1 =	sld [smem:$0x3F9D];
	s0 =	simm.s32 @p0 $0x1  }
0x13: {  	[smem:$0x3FB8] =	sst s0;
	s0 =	simm.s32 @!p1 $0x0  }
0x14: {  	s2 =	sld [smem:$0x3F9C];
	s0 =	simm.s32 @p1 $0x1  }
0x15: {  	[smem:$0x3FB9] =	sst s0;
	s0 =	simm.s32 @!p2 $0x0  }
0x16: {  	s3 =	sld [smem:$0x3FDB];
	s0 =	simm.s32 @p2 $0x1  }
0x17: {  	s4 =	simm.s32 $0x1BF5;
	[smem:$0x3FBB] =	sst s0  }
0x18: {  	s0 =	sld [smem:$0x3F9E];
	_ =	swait.ge [sflag:s4], $0x0  }
0x19: {  	s7 =	sld [smem:$0x3F9F]  }
0x1a: {  	s8 =	sadd.s32 $0xFFFFE003, lr  }
0x1b: {  	s9 =	sadd.s32 $0xFFFFFEF7, lr;
	s5 =	simm.s32 $0xFFFFFFFF;
	p2 =	slt.u32 s8, $0xFFFFF086  }
0x1c: {  	p1 =	slt.u32 s9, $0xF7A;
	s5 =	simm.s32 @!p2 $0x0  }
0x1d: {  	s5 =	simm.s32 @p1 $0x1;
	p0 =	seq.s32 s7, s2  }
0x1e: {  	s7 =	smul.u32 @!p0 $0xF7A, s2;
	p2 =	seq.s32 @!p0 s5, $0x0  }
0x1f: {  	s9 =	smul.u32 $0xF7A, s1;
	s8 =	simm.s32 @!p0 $0x1BF5;
	p2 =	por !p2, p0  }
0x20: {  	[sflag:s8] =	ssyncset.s32 @!p0 $0xFFFFF086;
	s6 =	sadd.s32 @!p0 s3, s7;
	s7 =	simm.s32 @!p0 $0x108  }
0x21: {  	s3 =	sadd.s32 s3, s9;
	s6 =	sadd.s32 @!p0 $0x88, s6;
	s7 =	simm.s32 @p2 $0x1082  }
0x22: {  	[simem:s7], [sflag:s8] =	dma.local @!p0 [hbm:s6], $0xF7A  }
0x23: {  	s9 =	sor.u32 $0xD0000000, s2;
	s6 =	simm.s32 $0x108;
	_ =	swait.ge @!p0 [sflag:s8], $0x0  }
0x24: {  	s3 =	sadd.s32 $0x88, s3;
	s6 =	simm.s32 @!p1 $0x1082;
	[sflag:s4] =	ssyncset.s32 $0xFFFFF086  }
0x25: {  	[simem:s6], [sflag:s4] =	dma.local [hbm:s3], $0xF7A  }
0x26: {  	[smem:$0x3F9F] =	sst s1;
	(tag) =	ssettag s2;
	_ =	strace s9  }
0x27: {  	s1 =	sld [smem:$0x3FAF]  }
0x28: {  	s2 =	sld [smem:$0x3FB0]  }
0x29: {  	s4 =	sld [smem:$0x3FB2]  }
0x2a: {  	p0 =	seq.s32 s5, $0x0;
	s5 =	sld [smem:$0x3FB3]  }
0x2b: {  	s6 =	sld [smem:$0x3FB4]  }
0x2c: {  	s7 =	sld [smem:$0x3FB5]  }
0x2d: {  	s3 =	simm.s32 $0x108;
	s8 =	sld [smem:$0x3FB6]  }
0x2e: {  	s3 =	simm.s32 @!p0 $0x1082;
	s9 =	sld [smem:$0x3FB7]  }
0x2f: {  	lr =	sadd.s32 s0, s3;
	s0 =	sld [smem:$0x3FAE]  }
0x30: {  	s3 =	sld [smem:$0x3FB1]  }
0x31: {  	[smem:$0x3FBA] =	sst s10  }
0x32: {  	s10 =	sld [smem:$0x3FB8];
	_ =	sdelay $0x3  }
0x33: {  	p0 =	seq.s32 s10, $0x1;
	s10 =	sld [smem:$0x3FBA];
	_ =	sdelay $0x3  }
0x34: {  	[smem:$0x3FBA] =	sst s10  }
0x35: {  	s10 =	sld [smem:$0x3FB9];
	_ =	sdelay $0x3  }
0x36: {  	p1 =	seq.s32 s10, $0x1;
	s10 =	sld [smem:$0x3FBA];
	_ =	sdelay $0x3  }
0x37: {  	[smem:$0x3FBA] =	sst s10  }
0x38: {  	s10 =	sld [smem:$0x3FBB]  }
0x39: {  	_ = 	snop;
	(pc) =	sbr.ind lr, $3  }
0x3a: {  	_ = 	snop  }
0x3b: {  	_ = 	snop  }
0x3c: {  	p2 =	seq.s32 s10, $0x1;
	s10 =	sld [smem:$0x3FBA]  }
0x3d: {  	_ =	shalt  }
0x3e: {  	_ =	shalt  }
0x3f: {  	_ =	shalt  }
0x40: {  	_ =	shalt  }
0x41: {  	_ =	shalt  }
0x42: {  	_ =	shalt  }
0x43: {  	_ =	shalt  }
0x44: {  	_ =	shalt  }
0x45: {  	_ =	shalt  }
0x46: {  	_ =	shalt  }
0x47: {  	_ =	shalt  }
0x48: {  	_ =	shalt  }
0x49: {  	_ =	shalt  }
0x4a: {  	_ =	shalt  }
0x4b: {  	_ =	shalt  }
0x4c: {  	_ =	shalt  }
0x4d: {  	_ =	shalt  }
0x4e: {  	_ =	shalt  }
0x4f: {  	_ =	shalt  }
0x50: {  	_ =	shalt  }
0x51: {  	_ =	shalt  }
0x52: {  	_ =	shalt  }
0x53: {  	_ =	shalt  }
0x54: {  	_ =	shalt  }
0x55: {  	_ =	shalt  }
0x56: {  	_ =	shalt  }
0x57: {  	_ =	shalt  }
0x58: {  	_ =	shalt  }
0x59: {  	_ =	shalt  }
0x5a: {  	_ =	shalt  }
0x5b: {  	_ =	shalt  }
0x5c: {  	_ =	shalt  }
0x5d: {  	_ =	shalt  }
0x5e: {  	_ =	shalt  }
0x5f: {  	_ =	shalt  }
0x60: {  	_ =	shalt  }
0x61: {  	_ =	shalt  }
0x62: {  	_ =	shalt  }
0x63: {  	_ =	shalt  }
0x64: {  	_ =	shalt  }
0x65: {  	_ =	shalt  }
0x66: {  	_ =	shalt  }
0x67: {  	_ =	shalt  }
0x68: {  	_ =	shalt  }
0x69: {  	_ =	shalt  }
0x6a: {  	_ =	shalt  }
0x6b: {  	_ =	shalt  }
0x6c: {  	_ =	shalt  }
0x6d: {  	_ =	shalt  }
0x6e: {  	_ =	shalt  }
0x6f: {  	_ =	shalt  }
0x70: {  	_ =	shalt  }
0x71: {  	_ =	shalt  }
0x72: {  	_ =	shalt  }
0x73: {  	_ =	shalt  }
0x74: {  	_ =	shalt  }
0x75: {  	_ =	shalt  }
0x76: {  	_ =	shalt  }
0x77: {  	_ =	shalt  }
0x78: {  	_ =	shalt  }
0x79: {  	_ =	shalt  }
0x7a: {  	_ =	shalt  }
0x7b: {  	_ =	shalt  }
0x7c: {  	_ =	shalt  }
0x7d: {  	_ =	shalt  }
0x7e: {  	_ =	shalt  }
0x7f: {  	_ =	shalt  }
0x80: {  	_ =	shalt  }
0x81: {  	_ =	shalt  }
0x82: {  	_ =	shalt  }
0x83: {  	_ =	shalt  }
0x84: {  	_ =	shalt  }
0x85: {  	_ =	shalt  }
0x86: {  	_ =	shalt  }
0x87: {  	_ =	shalt  }
.Lfunc_end0:
.L_simem_size_0:
called_computation.2_lowered:
.L_overlay_start_0:
0x88: {  	s2 =	sld [smem:$0x3FD9]  }
0x89: {  	s3 =	sld [smem:$0x3FFE];
	_ =	sdelay $0x1  }
0x8a: {  	s1 =	srdreg.scid  }
0x8b: {  	s0 =	sand.u32 $0x1, s1  }
0x8c: {  	s17 =	sshll.u32 s0, $0xA;
	s2 =	sadd.s32 s3, s2  }
0x8d: {  	s2 =	sadd.s32 s2, s17  }
0x8e: {  	[smem:$0x3FC6] =	sst s2  }
0x8f: {  	_ = 	snop  }
0x90: {  	s2 =	sld [smem:$0x3FD0];
	(tm) =	ssettm $0x1  }
0x91: {  	s18 =	sld [smem:$0x3FFB];
	_ =	sdelay $0x3  }
0x92: {  	_ =	strace s18  }
0x93: {  	s3 =	sld [smem:$0x3FFC];
	_ =	sdelay $0x3  }
0x94: {  	_ =	strace s3  }
0x95: {  	s3 =	sld [smem:$0x3FFD];
	_ =	sdelay $0x3  }
0x96: {  	_ =	strace s3  }
0x97: {  	_ =	strace $0x8FFFFFFF  }
0x98: {  	s19 =	sld [smem:$0x3FDB];
	_ =	sdelay $0x1  }
0x99: {  	s4 =	simm.s32 $_scs_section_size  }
0x9a: {  	s5 =	simm.s32 $_size__tile_overlayer_lowered;
	s6 =	simm.s32 $_tile_overlayer_lowered  }
0x9b: {  	s22 =	simm.s32 $0x1BFF;
	s21 =	sshll.u32 s6, $0x1;
	s3 =	sadd.s32 s4, s19  }
0x9c: {  	s7 =	simm.s32 $0x0;
	s20 =	sshll.u32 s5, $0x1;
	s5 =	sadd.s32 s21, s3  }
0x9d: {  	[timem:s7], [sflag:s22] =	dma.local [hbm:s5], s20  }
0x9e: {  	_ =	swait.ge [sflag:s22], s20  }
0x9f: {  	s4 =	ssub.s32 $0x0, s20;
	[sflag:s22] =	ssyncset.done $0x0  }
0xa0: {  	[sflag:s22] =	ssyncadd.s32 s4;
	_ =	sdelay $0x1  }
0xa1: {  	s23 =	simm.s32 $0x1B8B  }
0xa2: {  	_ =	swait.ge [sflag:s23], $0x1  }
0xa3: {  	[sflag:s23] =	ssyncset.done $0x0  }
0xa4: {  	s25 =	simm.s32 $0x1B8E;
	s24 =	sld [smem:$0x3FFE];
	[sflag:s23] =	ssyncadd.s32 $0xFFFFFFFF  }
0xa5: {  	s26 =	simm.s32 $execute0_lowered;
	[smem:$0x3FD2] =	sst s25  }
0xa6: {  	s5 =	sshll.u32 s26, $0x1;
	_ =	strace $0x80000049;
	[dreg:$0x1] =	wrdreg $0xFFFFFFFF  }
0xa7: {  	s28 =	simm.s32 $_size_execute0_lowered;
	s3 =	sadd.s32 s3, s5;
	[dreg:$0x0] =	wrdreg $0x0  }
0xa8: {  	s5 =	sshll.u32 s28, $0x1;
	[dreg:$0x2] =	wrdreg s3  }
0xa9: {  	[dreg:$0x3] =	wrdreg s5  }
0xaa: {  	[dreg:$0x4] =	wrdreg $0xC0  }
0xab: {  	_ =	task [dreg:s7], $0x5FFFF  }
0xac: {  	[dreg:$0x1] =	wrdreg $0xFFFFFFFF  }
0xad: {  	[dreg:$0x0] =	wrdreg $0x60  }
0xae: {  	[dreg:$0x2] =	wrdreg s24  }
0xaf: {  	[dreg:$0x3] =	wrdreg s2  }
0xb0: {  	[dreg:$0x4] =	wrdreg $0x9  }
0xb1: {  	_ =	task.clear_ibuf [dreg:s7], $0x5FFFF;
	_ =	strace $0x90000049  }
0xb2: {  	s29 =	simm.s32 $0x9;
	_ =	strace $0x8000004B  }
0xb3: {  	_ =	swait.ge [sflag:s29], $0x1  }
0xb4: {  	[sflag:s29] =	ssyncadd.s32 $0xFFFFFFFF  }
0xb5: {  	_ =	strace $0x9000004B  }
0xb6: {  	_ =	sfence  }
0xb7: {  	s30 =	sld [smem:$0x0];
	_ =	sdelay $0x2  }
0xb8: {  	s31 =	sshll.u32 s1, $0xD;
	s1 =	sshrl.u32 s1, $0x2  }
0xb9: {  	s3 =	sand.u32 $0x4000, s31;
	s1 =	sadd.s32 s1, s30  }
0xba: {  	s0 =	sor.u32 s3, s0;
	s1 =	sshll.u32 s1, $0x11  }
0xbb: {  	s0 =	sor.u32 s1, s0  }
0xbc: {  	s0 =	sadd.s32 $0x8F2B, s0  }
0xbd: {  	[sflag:s0] =	ssyncadd.remote.s32 $0x1  }
0xbe: {  	_ =	sfence.sel $0xFFFF  }
0xbf: {  	[dreg:$0x0] =	wrdreg $0xFFFFFFFF;
	(pc) =	sbr.abs _section_cstart, $3  }
0xc0: {  	[dreg:$0x1] =	wrdreg $0xFFFFFFFF  }
0xc1: {  	_ =	task.clear_ibuf [dreg:s7], $0x2FFFF;
	_ =	strace $0x9FFFFFFF  }
0xc2: {  	(tm) =	ssettm $0x7FFFFFFF  }
0xc3: {  	_ =	shalt  }
tec
execute0_lowered:
.L_overlay_start_1:
0x0: {  	(tag) =	ssettag $0x1  }
0x1: {  	s0 =	srdreg.scid;
	s1 =	rddreg [dreg:$0x0]  }
0x2: {  	s13 =	stileid.u32;
	s11 =	rddreg [dreg:$0x1];
	s15 =	simm.s32 $0x80  }
0x3: {  	s16 =	simm.s32 $0x3400;
	s17 =	simm.s32 $0x4400;
	s19 =	simm.s32 $0x5400  }
0x4: {  	s21 =	simm.s32 $0x6400;
	s23 =	simm.s32 $0x7400;
	s25 =	simm.s32 $0x8400  }
0x5: {  	s28 =	simm.s32 $0x9400;
	s30 =	simm.s32 $0xA400;
	s8 =	smul.u32 $0xD0, s13  }
0x6: {  	s0 =	sand.u32 $0x1, s0;
	s2 =	sshll.u32 s13, $0x1;
	s13 =	smul.u32 $0x1A000, s13  }
0x7: {  	s31 =	simm.s32 $0x1;
	s18 =	simm.s32 $0x4;
	s9 =	smul.u32 $0x68, s0  }
0x8: {  	s3 =	sor.u32 s0, s2;
	s29 =	ssub.s32 $0x2, s0;
	s0 =	smul.u32 $0xD000, s0  }
0x9: {  	s20 =	simm.s32 $0x0;
	s2 =	simm.s32 $0x0;
	s4 =	smul.u32 $0x680, s3  }
0xa: {  	[smem:$0x7FF] =	sst s2;
	s5 =	smul.u32 $0x68000, s3;
	s3 =	sadd.s32 $0x27BA200, s1  }
0xb: {  	s6 =	sshrl.u32 s29, $0x1;
	s13 =	sadd.s32 s13, s11;
	_ =	strace $0x8000004A  }
0xc: {  	s9 =	sadd.s32 s9, s8;
	s0 =	sadd.s32 s0, s13;
	s4 =	sadd.s32 s4, s1  }
0xd: {  	s5 =	sshrl.u32 s5, $0x3;
	s1 =	ssub.s32 s29, s6;
	s10 =	sshll.u32 s9, $0x9  }
0xe: {  	[dreg:$0x4] =	wrdreg s0;
	s0 =	simm.s32 $0x2;
	s12 =	sadd.s32 s11, s5  }
0xf: {  	s4 =	sadd.s32 $0x27AD200, s4;
	s14 =	sadd.s32 s10, s11;
	s13 =	smax.u32 s1, $0x1  }
0x10: {  	s1 =	simm.s32 $0x3;
	s5 =	sadd.s32 $0xC000, s12;
	s6 =	sadd.s32 $0xC200, s12  }
0x11: {  	s7 =	sadd.s32 $0xC400, s12;
	s8 =	sadd.s32 $0xC600, s12;
	s9 =	sadd.s32 $0xC800, s12  }
0x12: {  	s10 =	sadd.s32 $0xCA00, s12;
	s14 =	sadd.s32 $0x800, s14;
	s11 =	sadd.s32 $0xCC00, s12  }
0x13: {  	v0 =	vlaneseq.u32;
	s12 =	sadd.s32 $0xCE00, s12;
	[dreg:$0x3] =	wrdreg s14;
	s14 =	simm.s32 $0x5  }
.LBB2_1:
0x14: {  	s22 =	simm.s32 $0x30  }
0x15: {  	s24 =	simm.s32 $0x70;
	v1 =	vor.u32 s22, v0  }
0x16: {  	s29 =	simm.s32 $0x0;
	v7 =	vor.u32 s24, v0;
	v4 =	vmulhi.u32 $0x4EC4EC4F, v1  }
0x17: {  	s26 =	simm.s32 $0x10;
	v2 =	vor.u32 s29, v0;
	v9 =	vmulhi.u32 $0x4EC4EC4F, v7  }
0x18: {  	v3 =	vor.u32 s26, v0;
	s26 =	simm.s32 $0x50;
	v10 =	vmulhi.u32 $0x4EC4EC4F, v2  }
0x19: {  	v11 =	vmulhi.u32 $0x4EC4EC4F, v3;
	v8 =	vor.u32 s26, v0  }
0x1a: {  	s29 =	simm.s32 $0x20;
	v14 =	vmulhi.u32 $0x4EC4EC4F, v8  }
0x1b: {  	[tilespmem:s2], [sflag:$0x5] =	stream.linear.gather [hbm4b:s4+s2], $0x3400, $0x38;
	v5 =	vshrl.u32 v4, $0x3;
	v4 =	vor.u32 s29, v0;
	v9 =	vshrl.u32 v9, $0x3;
	[tilespmem:$0xB400] =	vst v63  }
0x1c: {  	s24 =	simm.s32 $0x40;
	v10 =	vshrl.u32 v10, $0x3;
	v6 =	vmul.u32 $0x1A, v5;
	v12 =	vmulhi.u32 $0x4EC4EC4F, v4  }
0x1d: {  	_ =	swait.ge [sflag:s14], $0x3400;
	s29 =	simm.s32 $0x60;
	v5 =	vor.u32 s24, v0;
	v18 =	vmul.u32 $0x1A, v9;
	v9 =	vshrl.u32 v11, $0x3  }
0x1e: {  	[sflag:s14] =	ssyncset.done $0x0;
	v13 =	vmulhi.u32 $0x4EC4EC4F, v5;
	v1 =	vsub.s32 v1, v6;
	v6 =	vor.u32 s29, v0  }
0x1f: {  	s22 =	simm.s32 $0x40;
	[sflag:s14] =	ssyncadd.s32 $0xFFFFCC00;
	v20 =	vshrl.u32 v14, $0x3;
	v16 =	vmul.u32 $0x1A, v9;
	v15 =	vmulhi.u32 $0x4EC4EC4F, v6  }
0x20: {  	v11 =	vld [tilespmem:s22+$0xFFFFFFC0];
	v12 =	vshrl.u32 v12, $0x3;
	v7 =	vsub.s32 v7, v18;
	v19 =	vshrl.u32 v13, $0x3  }
0x21: {  	v13 =	vmul.u32 $0x1A, v10;
	v10 =	vld [tilespmem:s22+$0xFFFFFFD0];
	v17 =	vmul.u32 $0x1A, v12;
	v21 =	vshrl.u32 v15, $0x3  }
0x22: {  	s24 =	simm.s32 $0xF0;
	v9 =	vld [tilespmem:s22+$0xFFFFFFE0];
	v14 =	vmul.u32 $0x1A, v19;
	v15 =	vmul.u32 $0x1A, v20;
	v12 =	vmul.u32 $0x1A, v21  }
.LBB2_2:
0x23: {  	p0 =	sne.s32 s24, $0x33F0;
	v2 =	vsub.s32 v2, v13;
	v3 =	vsub.s32 v3, v16;
	v4 =	vsub.s32 v4, v17;
	v13 =	vld [tilespmem:s22+$0x0]  }
0x24: {  	v5 =	vsub.s32 v5, v14;
	v2 =	vmul.u32 $0x61A80, v2;
	v8 =	vsub.s32 v8, v15;
	v14 =	vld [tilespmem:s22+$0x10]  }
0x25: {  	v3 =	vmul.u32 $0x61A80, v3;
	v6 =	vsub.s32 v6, v12;
	v11 =	vshll.u32 v11, $0x2;
	v12 =	vld [tilespmem:s22+$0x20]  }
0x26: {  	v4 =	vmul.u32 $0x61A80, v4;
	v2 =	vadd.s32 v2, v11;
	v10 =	vshll.u32 v10, $0x2;
	v11 =	vld [tilespmem:s22+$0x30]  }
0x27: {  	v5 =	vmul.u32 $0x61A80, v5;
	[tilespmem:s22+$0xFFFFFFC0] =	vst v2;
	v2 =	vadd.s32 v3, v10;
	v3 =	vshll.u32 v9, $0x2;
	v9 =	vld [tilespmem:s22+$0xFFFFFFF0]  }
0x28: {  	[tilespmem:s22+$0xFFFFFFD0] =	vst v2;
	v2 =	vadd.s32 v4, v3;
	v3 =	vshll.u32 v13, $0x2;
	v4 =	vmul.u32 $0x61A80, v8  }
0x29: {  	[tilespmem:s22+$0xFFFFFFE0] =	vst v2;
	v2 =	vadd.s32 v5, v3;
	v3 =	vshll.u32 v14, $0x2;
	v5 =	vmul.u32 $0x61A80, v6  }
0x2a: {  	[tilespmem:s22+$0x0] =	vst v2;
	v2 =	vadd.s32 v4, v3;
	v3 =	vshll.u32 v12, $0x2;
	v4 =	vmul.u32 $0x61A80, v7  }
0x2b: {  	s26 =	sadd.s32 $0xFFFFFFC0, s24;
	v1 =	vmul.u32 $0x61A80, v1;
	[tilespmem:s22+$0x10] =	vst v2;
	v2 =	vadd.s32 v5, v3;
	v3 =	vshll.u32 v11, $0x2  }
0x2c: {  	v6 =	vor.u32 s26, v0;
	v5 =	vshll.u32 v9, $0x2;
	[tilespmem:s22+$0x20] =	vst v2;
	v2 =	vadd.s32 v4, v3  }
0x2d: {  	s26 =	sadd.s32 $0xFFFFFF90, s24;
	v7 =	vor.u32 s24, v0;
	v4 =	vmulhi.u32 $0x4EC4EC4F, v6;
	v1 =	vadd.s32 v1, v5;
	[tilespmem:s22+$0x30] =	vst v2  }
0x2e: {  	v9 =	vmulhi.u32 $0x4EC4EC4F, v7;
	v2 =	vor.u32 s26, v0;
	s26 =	sadd.s32 $0xFFFFFFA0, s24;
	[tilespmem:s22+$0xFFFFFFF0] =	vst v1  }
0x2f: {  	v10 =	vmulhi.u32 $0x4EC4EC4F, v2;
	v3 =	vor.u32 s26, v0;
	s26 =	sadd.s32 $0xFFFFFFB0, s24;
	v1 =	vshrl.u32 v4, $0x3  }
0x30: {  	v11 =	vmulhi.u32 $0x4EC4EC4F, v3;
	v4 =	vor.u32 s26, v0;
	v1 =	vmul.u32 $0x1A, v1;
	s26 =	sadd.s32 $0xFFFFFFD0, s24  }
0x31: {  	v12 =	vmulhi.u32 $0x4EC4EC4F, v4;
	v5 =	vor.u32 s26, v0;
	s26 =	sadd.s32 $0xFFFFFFE0, s24  }
0x32: {  	v1 =	vsub.s32 v6, v1;
	v13 =	vmulhi.u32 $0x4EC4EC4F, v5;
	v8 =	vor.u32 s26, v0;
	s26 =	sadd.s32 $0xFFFFFFF0, s24  }
0x33: {  	v9 =	vshrl.u32 v9, $0x3;
	v14 =	vmulhi.u32 $0x4EC4EC4F, v8;
	v6 =	vor.u32 s26, v0  }
.Ltmp0:
0x34: {  	v18 =	vmul.u32 $0x1A, v9;
	v10 =	vshrl.u32 v10, $0x3;
	v15 =	vmulhi.u32 $0x4EC4EC4F, v6;
	(pc) =	sbr.rel @p0 .LBB2_2-.Ltmp0, $4  }
0x35: {  	s22 =	sadd.s32 $0x80, s22;
	v9 =	vshrl.u32 v11, $0x3;
	v12 =	vshrl.u32 v12, $0x3;
	v19 =	vshrl.u32 v13, $0x3  }
0x36: {  	v13 =	vmul.u32 $0x1A, v10;
	v20 =	vshrl.u32 v14, $0x3;
	v21 =	vshrl.u32 v15, $0x3;
	v11 =	vld [tilespmem:s22+$0xFFFFFFC0]  }
0x37: {  	v16 =	vmul.u32 $0x1A, v9;
	v17 =	vmul.u32 $0x1A, v12;
	v14 =	vmul.u32 $0x1A, v19;
	v10 =	vld [tilespmem:s22+$0xFFFFFFD0]  }
0x38: {  	v7 =	vsub.s32 v7, v18;
	s24 =	sadd.s32 $0x80, s24;
	v15 =	vmul.u32 $0x1A, v20;
	v12 =	vmul.u32 $0x1A, v21;
	v9 =	vld [tilespmem:s22+$0xFFFFFFE0]  }
0x39: {  	v2 =	vsub.s32 v2, v13;
	v3 =	vsub.s32 v3, v16;
	v55 =	vld [tilespmem:s22+$0x0];
	v4 =	vsub.s32 v4, v17  }
0x3a: {  	v5 =	vsub.s32 v5, v14;
	v59 =	vld [tilespmem:s22+$0xFFFFFFF0];
	v1 =	vmul.u32 $0x61A80, v1;
	v2 =	vmul.u32 $0x61A80, v2  }
0x3b: {  	v56 =	vld [tilespmem:s22+$0x10];
	v8 =	vsub.s32 v8, v15;
	v3 =	vmul.u32 $0x61A80, v3;
	v11 =	vshll.u32 v11, $0x2  }
0x3c: {  	v57 =	vld [tilespmem:s22+$0x20];
	v4 =	vmul.u32 $0x61A80, v4;
	v2 =	vadd.s32 v2, v11;
	v10 =	vshll.u32 v10, $0x2  }
0x3d: {  	v58 =	vld [tilespmem:s22+$0x30];
	v5 =	vmul.u32 $0x61A80, v5;
	[tilespmem:s22+$0xFFFFFFC0] =	vst v2;
	v2 =	vadd.s32 v3, v10;
	v3 =	vshll.u32 v9, $0x2  }
0x3e: {  	v6 =	vsub.s32 v6, v12;
	[tilespmem:s22+$0xFFFFFFD0] =	vst v2;
	v2 =	vadd.s32 v4, v3;
	v3 =	vshll.u32 v55, $0x2  }
0x3f: {  	v60 =	vmul.u32 $0x61A80, v8;
	v63 =	vshll.u32 v59, $0x2;
	[tilespmem:s22+$0xFFFFFFE0] =	vst v2;
	v2 =	vadd.s32 v5, v3  }
0x40: {  	v61 =	vmul.u32 $0x61A80, v6;
	v3 =	vshll.u32 v56, $0x2;
	v1 =	vadd.s32 v1, v63;
	[tilespmem:s22+$0x0] =	vst v2  }
0x41: {  	v62 =	vmul.u32 $0x61A80, v7;
	v2 =	vadd.s32 v60, v3;
	v3 =	vshll.u32 v57, $0x2;
	[tilespmem:s22+$0xFFFFFFF0] =	vst v1  }
0x42: {  	[tilespmem:s22+$0x10] =	vst v2;
	v2 =	vadd.s32 v61, v3;
	v3 =	vshll.u32 v58, $0x2  }
0x43: {  	[tilespmem:s22+$0x20] =	vst v2;
	v2 =	vadd.s32 v62, v3  }
0x44: {  	s29 =	simm.s32 $0x0;
	[tilespmem:s22+$0x30] =	vst v2  }
0x45: {  	[tilespmem:s16], [sflag:$0x1] =	stream.indirect.gather [hbm4b:s3+s15], $0x20, s29, s15, $0xb8;
	[tilespmem:$0xB400] =	vst v63  }
0x46: {  	_ = 	snop  }
0x47: {  	[tilespmem:s17], [sflag:$0x1] =	stream.indirect.gather [hbm4b:s3+s15], $0x20, s15, s15, $0xb8;
	[tilespmem:$0xB400] =	vst v63  }
0x48: {  	s24 =	simm.s32 $0x100  }
0x49: {  	[tilespmem:s19], [sflag:$0x1] =	stream.indirect.gather [hbm4b:s3+s15], $0x20, s24, s15, $0xb8;
	[tilespmem:$0xB400] =	vst v63  }
0x4a: {  	s26 =	simm.s32 $0x180  }
0x4b: {  	[tilespmem:s21], [sflag:$0x1] =	stream.indirect.gather [hbm4b:s3+s15], $0x20, s26, s15, $0xb8;
	[tilespmem:$0xB400] =	vst v63  }
0x4c: {  	s29 =	simm.s32 $0x200  }
0x4d: {  	[tilespmem:s23], [sflag:$0x2] =	stream.indirect.gather [hbm4b:s3+s15], $0x20, s29, s15, $0xb8;
	[tilespmem:$0xB400] =	vst v63  }
0x4e: {  	s24 =	simm.s32 $0x280  }
0x4f: {  	[tilespmem:s25], [sflag:$0x2] =	stream.indirect.gather [hbm4b:s3+s15], $0x20, s24, s15, $0xb8;
	[tilespmem:$0xB400] =	vst v63  }
0x50: {  	s26 =	simm.s32 $0x300  }
0x51: {  	[tilespmem:s28], [sflag:$0x2] =	stream.indirect.gather [hbm4b:s3+s15], $0x20, s26, s15, $0xb8;
	[tilespmem:$0xB400] =	vst v63  }
0x52: {  	s29 =	simm.s32 $0x380  }
0x53: {  	[tilespmem:s30], [sflag:$0x2] =	stream.indirect.gather [hbm4b:s3+s15], $0x20, s29, s15, $0xb8;
	[tilespmem:$0xB400] =	vst v63  }
0x54: {  	_ =	swait.ge [sflag:s31], $0x4000  }
0x55: {  	s24 =	rddreg [dreg:$0x4];
	[sflag:s31] =	ssyncset.done $0x0  }
0x56: {  	[sflag:s31] =	ssyncadd.s32 $0xFFFFC000;
	s22 =	sadd.s32 $0x0, s24  }
0x57: {  	[hbm4b:s22+s2] =	stream.linear.scatter [tilespmem:s16], [sflag:$0x3], $0x1000, $0x38;
	[tilespmem:$0xB400] =	vst v63  }
0x58: {  	s24 =	sadd.s32 $0x200, s22  }
0x59: {  	[hbm4b:s24+s2] =	stream.linear.scatter [tilespmem:s17], [sflag:$0x3], $0x1000, $0x38;
	[tilespmem:$0xB400] =	vst v63  }
0x5a: {  	s26 =	sadd.s32 $0x400, s22  }
0x5b: {  	[hbm4b:s26+s2] =	stream.linear.scatter [tilespmem:s19], [sflag:$0x3], $0x1000, $0x38;
	[tilespmem:$0xB400] =	vst v63  }
0x5c: {  	s22 =	sadd.s32 $0x600, s22  }
0x5d: {  	[hbm4b:s22+s2] =	stream.linear.scatter [tilespmem:s21], [sflag:$0x3], $0x1000, $0x38;
	[tilespmem:$0xB400] =	vst v63  }
0x5e: {  	_ =	swait.ge [sflag:s1], $0x4000  }
0x5f: {  	[sflag:s1] =	ssyncset.done $0x0  }
0x60: {  	s29 =	simm.s32 $0x400;
	[sflag:s1] =	ssyncadd.s32 $0xFFFFC000  }
0x61: {  	[tilespmem:s16], [sflag:$0x1] =	stream.indirect.gather [hbm4b:s3+s15], $0x20, s29, s15, $0xb8;
	[tilespmem:$0xB400] =	vst v63  }
0x62: {  	s24 =	simm.s32 $0x480  }
0x63: {  	[tilespmem:s17], [sflag:$0x1] =	stream.indirect.gather [hbm4b:s3+s15], $0x20, s24, s15, $0xb8;
	[tilespmem:$0xB400] =	vst v63  }
0x64: {  	s26 =	simm.s32 $0x500  }
0x65: {  	[tilespmem:s19], [sflag:$0x1] =	stream.indirect.gather [hbm4b:s3+s15], $0x20, s26, s15, $0xb8;
	[tilespmem:$0xB400] =	vst v63  }
0x66: {  	s29 =	simm.s32 $0x580  }
0x67: {  	[tilespmem:s21], [sflag:$0x1] =	stream.indirect.gather [hbm4b:s3+s15], $0x20, s29, s15, $0xb8;
	[tilespmem:$0xB400] =	vst v63  }
0x68: {  	_ =	swait.ge [sflag:s0], $0x4000  }
0x69: {  	s24 =	rddreg [dreg:$0x3];
	[sflag:s0] =	ssyncset.done $0x0  }
0x6a: {  	[sflag:s0] =	ssyncadd.s32 $0xFFFFC000;
	s22 =	sadd.s32 $0x0, s24  }
0x6b: {  	[hbm4b:s22+s2] =	stream.linear.scatter [tilespmem:s23], [sflag:$0x4], $0x1000, $0x38;
	[tilespmem:$0xB400] =	vst v63  }
0x6c: {  	s26 =	sadd.s32 $0x200, s22  }
0x6d: {  	[hbm4b:s26+s2] =	stream.linear.scatter [tilespmem:s25], [sflag:$0x4], $0x1000, $0x38;
	[tilespmem:$0xB400] =	vst v63  }
0x6e: {  	s29 =	sadd.s32 $0x400, s22  }
0x6f: {  	[hbm4b:s29+s2] =	stream.linear.scatter [tilespmem:s28], [sflag:$0x4], $0x1000, $0x38;
	[tilespmem:$0xB400] =	vst v63  }
0x70: {  	s22 =	sadd.s32 $0x600, s22  }
0x71: {  	[hbm4b:s22+s2] =	stream.linear.scatter [tilespmem:s30], [sflag:$0x4], $0x1000, $0x38;
	[tilespmem:$0xB400] =	vst v63  }
0x72: {  	_ =	swait.ge [sflag:s18], $0x4000  }
0x73: {  	[sflag:s18] =	ssyncset.done $0x0  }
0x74: {  	s24 =	simm.s32 $0x600;
	[sflag:s18] =	ssyncadd.s32 $0xFFFFC000  }
0x75: {  	[tilespmem:s23], [sflag:$0x2] =	stream.indirect.gather [hbm4b:s3+s15], $0x20, s24, s15, $0xb8;
	[tilespmem:$0xB400] =	vst v63  }
0x76: {  	s26 =	simm.s32 $0x680  }
0x77: {  	[tilespmem:s25], [sflag:$0x2] =	stream.indirect.gather [hbm4b:s3+s15], $0x20, s26, s15, $0xb8;
	[tilespmem:$0xB400] =	vst v63  }
0x78: {  	s29 =	simm.s32 $0x700;
	s22 =	simm.s32 $0x1000;
	s24 =	simm.s32 $0x780  }
0x79: {  	[tilespmem:s28], [sflag:$0x2] =	stream.indirect.gather [hbm4b:s3+s15], $0x20, s29, s15, $0xb8;
	[tilespmem:$0xB400] =	vst v63  }
.LBB2_4:
0x7a: {  	[tilespmem:s30], [sflag:$0x2] =	stream.indirect.gather [hbm4b:s3+s15], $0x20, s24, s15, $0xb8;
	[tilespmem:$0xB400] =	vst v63  }
0x7b: {  	_ =	swait.ge [sflag:s31], $0x4000  }
0x7c: {  	s24 =	smov.u32 s22;
	s26 =	rddreg [dreg:$0x4];
	[sflag:s31] =	ssyncset.done $0x0  }
0x7d: {  	[sflag:s31] =	ssyncadd.s32 $0xFFFFC000;
	s26 =	sadd.s32 s24, s26  }
0x7e: {  	[hbm4b:s26+s2] =	stream.linear.scatter [tilespmem:s16], [sflag:$0x3], $0x1000, $0x38;
	[tilespmem:$0xB400] =	vst v63  }
0x7f: {  	s29 =	sadd.s32 $0x200, s26  }
0x80: {  	[hbm4b:s29+s2] =	stream.linear.scatter [tilespmem:s17], [sflag:$0x3], $0x1000, $0x38;
	[tilespmem:$0xB400] =	vst v63  }
0x81: {  	s29 =	sadd.s32 $0x400, s26  }
0x82: {  	[hbm4b:s29+s2] =	stream.linear.scatter [tilespmem:s19], [sflag:$0x3], $0x1000, $0x38;
	[tilespmem:$0xB400] =	vst v63  }
0x83: {  	s26 =	sadd.s32 $0x600, s26  }
0x84: {  	[hbm4b:s26+s2] =	stream.linear.scatter [tilespmem:s21], [sflag:$0x3], $0x1000, $0x38;
	[tilespmem:$0xB400] =	vst v63  }
0x85: {  	_ =	swait.ge [sflag:s1], $0x4000  }
0x86: {  	s26 =	sshra.s32 s24, $0x2;
	[sflag:s1] =	ssyncset.done $0x0  }
0x87: {  	s29 =	sadd.s32 $0x400, s26;
	[sflag:s1] =	ssyncadd.s32 $0xFFFFC000  }
0x88: {  	[tilespmem:s16], [sflag:$0x1] =	stream.indirect.gather [hbm4b:s3+s15], $0x20, s29, s15, $0xb8;
	[tilespmem:$0xB400] =	vst v63  }
0x89: {  	s29 =	sadd.s32 $0x480, s26  }
0x8a: {  	[tilespmem:s17], [sflag:$0x1] =	stream.indirect.gather [hbm4b:s3+s15], $0x20, s29, s15, $0xb8;
	[tilespmem:$0xB400] =	vst v63  }
0x8b: {  	s29 =	sadd.s32 $0x500, s26  }
0x8c: {  	[tilespmem:s19], [sflag:$0x1] =	stream.indirect.gather [hbm4b:s3+s15], $0x20, s29, s15, $0xb8;
	[tilespmem:$0xB400] =	vst v63  }
0x8d: {  	s29 =	sadd.s32 $0x580, s26  }
0x8e: {  	[tilespmem:s21], [sflag:$0x1] =	stream.indirect.gather [hbm4b:s3+s15], $0x20, s29, s15, $0xb8;
	[tilespmem:$0xB400] =	vst v63  }
0x8f: {  	_ =	swait.ge [sflag:s0], $0x4000  }
0x90: {  	s29 =	rddreg [dreg:$0x3];
	[sflag:s0] =	ssyncset.done $0x0  }
0x91: {  	[sflag:s0] =	ssyncadd.s32 $0xFFFFC000;
	s24 =	sadd.s32 s24, s29  }
0x92: {  	[hbm4b:s24+s2] =	stream.linear.scatter [tilespmem:s23], [sflag:$0x4], $0x1000, $0x38;
	[tilespmem:$0xB400] =	vst v63  }
0x93: {  	s29 =	sadd.s32 $0x200, s24  }
0x94: {  	[hbm4b:s29+s2] =	stream.linear.scatter [tilespmem:s25], [sflag:$0x4], $0x1000, $0x38;
	[tilespmem:$0xB400] =	vst v63  }
0x95: {  	s29 =	sadd.s32 $0x400, s24  }
0x96: {  	[hbm4b:s29+s2] =	stream.linear.scatter [tilespmem:s28], [sflag:$0x4], $0x1000, $0x38;
	[tilespmem:$0xB400] =	vst v63  }
0x97: {  	s24 =	sadd.s32 $0x600, s24  }
0x98: {  	[hbm4b:s24+s2] =	stream.linear.scatter [tilespmem:s30], [sflag:$0x4], $0x1000, $0x38;
	[tilespmem:$0xB400] =	vst v63  }
0x99: {  	_ =	swait.ge [sflag:s18], $0x4000  }
0x9a: {  	[sflag:s18] =	ssyncset.done $0x0  }
0x9b: {  	p0 =	sne.s32 s22, $0xB000;
	s29 =	sadd.s32 $0x600, s26;
	[sflag:s18] =	ssyncadd.s32 $0xFFFFC000  }
0x9c: {  	[tilespmem:s23], [sflag:$0x2] =	stream.indirect.gather [hbm4b:s3+s15], $0x20, s29, s15, $0xb8;
	[tilespmem:$0xB400] =	vst v63  }
.Ltmp1:
0x9d: {  	_ = 	snop;
	(pc) =	sbr.rel @p0 .LBB2_4-.Ltmp1, $4  }
0x9e: {  	s29 =	sadd.s32 $0x680, s26  }
0x9f: {  	[tilespmem:s25], [sflag:$0x2] =	stream.indirect.gather [hbm4b:s3+s15], $0x20, s29, s15, $0xb8;
	[tilespmem:$0xB400] =	vst v63  }
0xa0: {  	s22 =	sadd.s32 $0x1000, s22;
	s24 =	sadd.s32 $0x780, s26;
	s29 =	sadd.s32 $0x700, s26  }
0xa1: {  	[tilespmem:s28], [sflag:$0x2] =	stream.indirect.gather [hbm4b:s3+s15], $0x20, s29, s15, $0xb8;
	[tilespmem:$0xB400] =	vst v63  }
0xa2: {  	[tilespmem:s30], [sflag:$0x2] =	stream.indirect.gather [hbm4b:s3+s15], $0x20, s24, s15, $0xb8;
	[tilespmem:$0xB400] =	vst v63  }
0xa3: {  	_ =	swait.ge [sflag:s31], $0x4000  }
0xa4: {  	[sflag:s31] =	ssyncset.done $0x0  }
0xa5: {  	[sflag:s31] =	ssyncadd.s32 $0xFFFFC000  }
0xa6: {  	[hbm4b:s5+s2] =	stream.linear.scatter [tilespmem:s16], [sflag:$0x3], $0x1000, $0x38;
	[tilespmem:$0xB400] =	vst v63  }
0xa7: {  	_ = 	snop  }
0xa8: {  	[hbm4b:s6+s2] =	stream.linear.scatter [tilespmem:s17], [sflag:$0x3], $0x1000, $0x38;
	[tilespmem:$0xB400] =	vst v63  }
0xa9: {  	_ = 	snop  }
0xaa: {  	[hbm4b:s7+s2] =	stream.linear.scatter [tilespmem:s19], [sflag:$0x3], $0x1000, $0x38;
	[tilespmem:$0xB400] =	vst v63  }
0xab: {  	_ = 	snop  }
0xac: {  	[hbm4b:s8+s2] =	stream.linear.scatter [tilespmem:s21], [sflag:$0x3], $0x1000, $0x38;
	[tilespmem:$0xB400] =	vst v63  }
0xad: {  	_ =	swait.ge [sflag:s1], $0x4000  }
0xae: {  	[sflag:s1] =	ssyncset.done $0x0  }
0xaf: {  	[sflag:s1] =	ssyncadd.s32 $0xFFFFC000  }
0xb0: {  	_ =	swait.ge [sflag:s0], $0x4000  }
0xb1: {  	[sflag:s0] =	ssyncset.done $0x0  }
0xb2: {  	[sflag:s0] =	ssyncadd.s32 $0xFFFFC000  }
0xb3: {  	[hbm4b:s9+s2] =	stream.linear.scatter [tilespmem:s23], [sflag:$0x4], $0x1000, $0x38;
	[tilespmem:$0xB400] =	vst v63  }
0xb4: {  	s20 =	sadd.s32 $0x1, s20  }
0xb5: {  	[hbm4b:s10+s2] =	stream.linear.scatter [tilespmem:s25], [sflag:$0x4], $0x1000, $0x38;
	[tilespmem:$0xB400] =	vst v63  }
0xb6: {  	p0 =	sne.s32 s20, s13  }
0xb7: {  	[hbm4b:s11+s2] =	stream.linear.scatter [tilespmem:s28], [sflag:$0x4], $0x1000, $0x38;
	[tilespmem:$0xB400] =	vst v63  }
.Ltmp2:
0xb8: {  	_ = 	snop;
	(pc) =	sbr.rel @p0 .LBB2_1-.Ltmp2, $4  }
0xb9: {  	[hbm4b:s12+s2] =	stream.linear.scatter [tilespmem:s30], [sflag:$0x4], $0x1000, $0x38;
	[tilespmem:$0xB400] =	vst v63  }
0xba: {  	_ =	swait.ge [sflag:s18], $0x4000  }
0xbb: {  	[sflag:s18] =	ssyncset.done $0x0  }
0xbc: {  	[sflag:s18] =	ssyncadd.s32 $0xFFFFC000  }
0xbd: {  	_ =	sfence.sel $0x180000  }
0xbe: {  	[bflag:$0x0] =	sbarrier.arrive $0xFFFF  }
0xbf: {  	_ =	strace $0x9000004A  }
0xc0: {  	s0 =	stileid.u32;
	[bflag:$0x2] =	sbarrier.arrive $0xFFFF  }
0xc1: {  	p0 =	sne.s32 s0, $0x0;
	s0 =	rddreg [dreg:$0x2]  }
0xc2: {  	s0 =	sadd.s32 @!p0 $0x100000, s0  }
0xc3: {  	[sflag:s0] =	ssyncadd.tile.s32 @!p0 $0x1;
	_ =	shalt  }
.Lfunc_end2:
_tile_overlayer_lowered:
.L_overlay_start_2:
0xc4: {  	(tag) =	ssettag $0x2  }
0xc5: {  	s0 =	rddreg [dreg:$0x0];
	s2 =	stileid.u32  }
0xc6: {  	s1 =	rddreg [dreg:$0x1];
	p0 =	sne.s32 s2, $0x0  }
0xc7: {  	s3 =	rddreg [dreg:$0x2];
	[bflag:$0x3] =	sbarrier.arrive $0xFFFF;
	s2 =	simm.s32 @!p0 $0x1C05  }
0xc8: {  	[timem:s3], [sflag:s2] =	dma.local @!p0 [hbm:s0], s1  }
0xc9: {  	s0 =	simm.s32 @!p0 $0x5  }
0xca: {  	_ =	swait.ge @!p0 [sflag:s0], s1  }
0xcb: {  	s1 =	ssub.s32 @!p0 $0x0, s1;
	[sflag:s0] =	ssyncset.done @!p0 $0x0  }
0xcc: {  	[sflag:s0] =	ssyncadd.s32 @!p0 s1  }
0xcd: {  	[bflag:$0x3] =	sbarrier.arrive $0xFFFF  }
0xce: {  	_ =	shalt  }

// kernel: sparse-core-data-format-call.1.cloned.1.call-start
scs
called_computation.1_lowered:
.L_overlay_start_0:
0x0: {  	s2 =	sld [smem:$0x3FD9]  }
0x1: {  	s3 =	sld [smem:$0x3FFE];
	_ =	sdelay $0x1  }
0x2: {  	s1 =	srdreg.scid  }
0x3: {  	s0 =	sand.u32 $0x1, s1  }
0x4: {  	s18 =	sshll.u32 s0, $0xA;
	s2 =	sadd.s32 s3, s2  }
0x5: {  	s2 =	sadd.s32 s2, s18  }
0x6: {  	[smem:$0x3FC6] =	sst s2  }
0x7: {  	_ = 	snop  }
0x8: {  	s2 =	sld [smem:$0x3FC8];
	(tm) =	ssettm $0x1  }
0x9: {  	s19 =	sld [smem:$0x3FFB];
	_ =	sdelay $0x3  }
0xa: {  	_ =	strace s19  }
0xb: {  	s3 =	sld [smem:$0x3FFC];
	_ =	sdelay $0x3  }
0xc: {  	_ =	strace s3  }
0xd: {  	s3 =	sld [smem:$0x3FFD];
	_ =	sdelay $0x3  }
0xe: {  	_ =	strace s3  }
0xf: {  	_ =	strace $0x8FFFFFFF  }
0x10: {  	s20 =	sld [smem:$0x3FDB];
	_ =	sdelay $0x1  }
0x11: {  	s4 =	simm.s32 $_scs_section_size  }
0x12: {  	s5 =	simm.s32 $_size__tile_overlayer_lowered;
	s6 =	simm.s32 $_tile_overlayer_lowered  }
0x13: {  	s23 =	simm.s32 $0x1BFF;
	s22 =	sshll.u32 s6, $0x1;
	s3 =	sadd.s32 s4, s20  }
0x14: {  	s7 =	simm.s32 $0x0;
	s21 =	sshll.u32 s5, $0x1;
	s5 =	sadd.s32 s22, s3  }
0x15: {  	[timem:s7], [sflag:s23] =	dma.local [hbm:s5], s21  }
0x16: {  	_ =	swait.ge [sflag:s23], s21  }
0x17: {  	s4 =	ssub.s32 $0x0, s21;
	[sflag:s23] =	ssyncset.done $0x0  }
0x18: {  	[sflag:s23] =	ssyncadd.s32 s4;
	_ =	sdelay $0x1  }
0x19: {  	s24 =	simm.s32 $0x1B8B  }
0x1a: {  	_ =	swait.ge [sflag:s24], $0x1  }
0x1b: {  	[sflag:s24] =	ssyncset.done $0x0  }
0x1c: {  	s26 =	simm.s32 $0x1B8E;
	s25 =	sld [smem:$0x3FFE];
	[sflag:s24] =	ssyncadd.s32 $0xFFFFFFFF  }
0x1d: {  	s27 =	simm.s32 $execute0_lowered;
	[smem:$0x3FD2] =	sst s26  }
0x1e: {  	s5 =	sshll.u32 s27, $0x1;
	_ =	strace $0x80000046;
	[dreg:$0x1] =	wrdreg $0xFFFFFFFF  }
0x1f: {  	s28 =	simm.s32 $_size_execute0_lowered;
	s3 =	sadd.s32 s3, s5;
	[dreg:$0x0] =	wrdreg $0x0  }
0x20: {  	s5 =	sshll.u32 s28, $0x1;
	[dreg:$0x2] =	wrdreg s3  }
0x21: {  	[dreg:$0x3] =	wrdreg s5  }
0x22: {  	[dreg:$0x4] =	wrdreg $0xC0  }
0x23: {  	_ =	task [dreg:s7], $0x5FFFF  }
0x24: {  	[dreg:$0x1] =	wrdreg $0xFFFFFFFF  }
0x25: {  	[dreg:$0x0] =	wrdreg $0x60  }
0x26: {  	[dreg:$0x2] =	wrdreg s2  }
0x27: {  	[dreg:$0x3] =	wrdreg s25  }
0x28: {  	[dreg:$0x4] =	wrdreg $0x9  }
0x29: {  	_ =	task.clear_ibuf [dreg:s7], $0x5FFFF;
	_ =	strace $0x90000046  }
0x2a: {  	s29 =	simm.s32 $0x9;
	_ =	strace $0x80000048  }
0x2b: {  	_ =	swait.ge [sflag:s29], $0x1  }
0x2c: {  	[sflag:s29] =	ssyncadd.s32 $0xFFFFFFFF  }
0x2d: {  	_ =	strace $0x90000048  }
0x2e: {  	_ =	sfence  }
0x2f: {  	s30 =	sld [smem:$0x0];
	_ =	sdelay $0x2  }
0x30: {  	s31 =	sshll.u32 s1, $0xD;
	s1 =	sshrl.u32 s1, $0x2  }
0x31: {  	s3 =	sand.u32 $0x4000, s31;
	s1 =	sadd.s32 s1, s30  }
0x32: {  	s0 =	sor.u32 s3, s0;
	s1 =	sshll.u32 s1, $0x11  }
0x33: {  	s0 =	sor.u32 s1, s0  }
0x34: {  	s0 =	sadd.s32 $0x8F2B, s0  }
0x35: {  	[sflag:s0] =	ssyncadd.remote.s32 $0x1  }
0x36: {  	_ =	sfence.sel $0xFFFF  }
0x37: {  	[dreg:$0x0] =	wrdreg $0xFFFFFFFF;
	(pc) =	sbr.abs _section_cstart, $3  }
0x38: {  	[dreg:$0x1] =	wrdreg $0xFFFFFFFF  }
0x39: {  	_ =	task.clear_ibuf [dreg:s7], $0x2FFFF;
	_ =	strace $0x9FFFFFFF  }
0x3a: {  	(tm) =	ssettm $0x7FFFFFFF  }
0x3b: {  	_ =	shalt  }
tec
execute0_lowered:
.L_overlay_start_1:
0x0: {  	(tag) =	ssettag $0x1  }
0x1: {  	s2 =	rddreg [dreg:$0x0]  }
0x2: {  	s0 =	srdreg.scid;
	s5 =	rddreg [dreg:$0x1]  }
0x3: {  	s31 =	simm.s32 $0x2;
	s16 =	simm.s32 $0x0;
	p0 =	por $0x0, $0x0  }
0x4: {  	s8 =	simm.s32 $0x80;
	s17 =	simm.s32 $0x0;
	s1 =	sshll.u32 s0, $0x4  }
0x5: {  	s18 =	simm.s32 $0x0;
	s0 =	stileid.u32;
	s1 =	sand.u32 $0x10, s1  }
0x6: {  	s9 =	simm.s32 $0x0;
	s10 =	simm.s32 $0x0;
	s1 =	sor.u32 s0, s1  }
0x7: {  	s11 =	simm.s32 $0x0;
	s13 =	simm.s32 $0x0;
	s3 =	sshll.u32 s1, $0x8  }
.Ltmp0:
0x8: {  	s14 =	simm.s32 $0x0;
	s4 =	ssub.s32 $0x18600, s3;
	(pc) =	sbr.rel .LBB1_1-.Ltmp0, $4  }
0x9: {  	s15 =	simm.s32 $0x0;
	s1 =	rddreg [dreg:$0x2];
	s6 =	sshrl.u32 s4, $0xD  }
0xa: {  	_ =	strace $0x80000047;
	s4 =	simm.s32 $0x1;
	s7 =	smul.u32 $0x1A, s6  }
0xb: {  	s5 =	sadd.s32 $0xE00, s5;
	s12 =	smov.u32 s3;
	[sflag:s4] =	ssyncpa.u1 $0x0  }
0xc: {  	[sflag:s31] =	ssyncpa.u1 $0x0;
	s6 =	sadd.s32 $0x1A, s7;
	s7 =	sadd.s32 $0x1B, s7  }
.LBB1_5:
0xd: {  	p1 =	slt.u32 s15, $0x2  }
0xe: {  	s19 =	smov.u32 s18;
	p2 =	sgt.s32 @!p1 s18, $0x19  }
0xf: {  	s20 =	sshra.s32 @!p1 s18, $0x1F;
	p3 =	sgt.s32 @!p1 s16, $0x185A0;
	p4 =	sgt.s32 @!p1 s17, $0x60  }
0x10: {  	s21 =	sshra.s32 @!p1 s17, $0x1F;
	p2 =	por !p2, p1;
	s18 =	sand.u32 @!p1 s20, s18  }
0x11: {  	p4 =	por !p4, p1;
	s20 =	smov.u32 s17;
	s19 =	simm.s32 @p2 $0x19  }
0x12: {  	s17 =	sand.u32 @!p1 s21, s17;
	s20 =	simm.s32 @p4 $0x60;
	s18 =	ssub.s32 @!p1 s19, s18  }
0x13: {  	p3 =	por !p3, p1;
	s17 =	ssub.s32 @!p1 s20, s17;
	s19 =	sadd.s32 @!p1 $0xFFFFFFE7, s18  }
0x14: {  	s20 =	sshra.s32 @!p1 s16, $0x1F;
	s18 =	ssub.s32 @!p1 $0x1A, s18;
	p2 =	sgt.s32 @!p1 s19, $0x0  }
0x15: {  	s19 =	smov.u32 s16;
	s16 =	sand.u32 @!p1 s20, s16;
	s20 =	sadd.s32 @!p1 $0xFFFFFFA0, s17  }
0x16: {  	s17 =	ssub.s32 @!p1 $0x80, s17;
	s19 =	simm.s32 @p3 $0x185A0;
	p2 =	por !p2, p1  }
0x17: {  	s18 =	simm.s32 @!p2 $0x0;
	s16 =	ssub.s32 @!p1 s19, s16;
	p2 =	sgt.s32 @!p1 s20, $0x1F  }
0x18: {  	s20 =	smov.u32 s13;
	s19 =	sadd.s32 @!p1 $0xFFFE7A60, s16;
	p2 =	por !p2, p1  }
0x19: {  	s16 =	ssub.s32 @!p1 $0x186A0, s16;
	s17 =	simm.s32 @!p2 $0x0;
	p2 =	sgt.s32 @!p1 s19, $0xFF  }
0x1a: {  	s19 =	sadd.s32 $0x2000, s12;
	p2 =	por !p2, p1;
	s17 =	smul.u32 @!p1 s18, s17  }
0x1b: {  	s18 =	sadd.s32 $0x20, s13;
	s16 =	simm.s32 @!p2 $0x0;
	p2 =	sgt.s32 s19, $0x1869F  }
0x1c: {  	s16 =	smul.u32 @!p1 s16, s17;
	s20 =	smov.u32 @p2 s18  }
0x1d: {  	s19 =	smov.u32 @p2 s3;
	s17 =	simm.s32 $0x1;
	p2 =	sgt.s32 s20, $0x1F  }
0x1e: {  	s17 =	simm.s32 @!p2 $0x0  }
0x1f: {  	p0 =	por !p0, !p0;
	s23 =	sadd.s32 s17, s14  }
0x20: {  	s21 =	simm.s32 @!p1 $0x2;
	s20 =	simm.s32 @p2 $0x0;
	p2 =	sgt.s32 s23, $0x19  }
0x21: {  	s18 =	smov.u32 s11;
	s23 =	simm.s32 @p2 $0x0;
	p2 =	sne.s32 s15, s7  }
.Ltmp1:
0x22: {  	s11 =	smov.u32 s14;
	s16 =	sand.u32 @!p1 $0x3FFFFFFF, s16;
	(pc) =	sbr.rel @!p2 .LBB1_6-.Ltmp1, $4  }
0x23: {  	_ =	swait.ge @!p1 [sflag:s21], s16;
	s22 =	ssub.s32 @!p1 $0x0, s16;
	s16 =	smov.u32 s9  }
0x24: {  	s17 =	smov.u32 s10;
	s9 =	smov.u32 s12;
	s10 =	smov.u32 s13  }
0x25: {  	s12 =	smov.u32 s19;
	s13 =	smov.u32 s20;
	[sflag:s21] =	ssyncset.done @!p1 $0x0  }
0x26: {  	s15 =	sadd.s32 $0x1, s15;
	[sflag:s21] =	ssyncadd.s32 @!p1 s22;
	s14 =	smov.u32 s23  }
.LBB1_1:
0x27: {  	p1 =	sge.u32 s15, s6  }
0x28: {  	s19 =	sshrl.u32 @!p1 s13, $0x3  }
0x29: {  	s20 =	sshll.u32 @!p1 s12, $0x3;
	s19 =	smul.u32 @!p1 $0xC3800, s19  }
0x2a: {  	s21 =	sshll.u32 @!p1 s13, $0x7;
	s20 =	sand.u32 @!p1 $0xFFFFFC00, s20  }
0x2b: {  	s19 =	sadd.s32 @!p1 s19, s20;
	s20 =	sand.u32 @!p1 $0x380, s21  }
0x2c: {  	s21 =	sand.u32 @!p1 $0x7F, s12;
	s19 =	sor.u32 @!p1 s20, s19  }
0x2d: {  	s20 =	sor.u32 @!p1 s21, s19  }
0x2e: {  	s21 =	smulhi.u32 @!p1 $0xA79C7B17, s20  }
0x2f: {  	s19 =	smulhi.u32 @!p1 $0xA79C7B17, s19  }
0x30: {  	s21 =	sshrl.u32 @!p1 s21, $0x10  }
0x31: {  	s19 =	sshrl.u32 @!p1 s19, $0x10;
	s21 =	smul.u32 @!p1 $0x18700, s21  }
0x32: {  	s22 =	sxor.u32 @!p1 $0xFFFFFFFF, s15;
	s23 =	smul.u32 @!p1 $0x61C00, s14;
	s19 =	sand.u32 @!p1 $0x1F, s19  }
0x33: {  	s22 =	sshll.u32 @!p1 s22, $0xD;
	s19 =	smul.u32 @!p1 $0x30E0, s19;
	s20 =	ssub.s32 @!p1 s20, s21  }
0x34: {  	s21 =	sand.u32 @!p1 $0x2000, s22;
	s22 =	sadd.s32 @!p1 s2, s23;
	s23 =	sand.u32 @!p1 $0x7, s20  }
0x35: {  	s20 =	sshrl.u32 @!p1 s20, $0x3;
	s19 =	sadd.s32 @!p1 s19, s22;
	s22 =	sshll.u32 @!p1 s23, $0x12  }
0x36: {  	s19 =	sadd.s32 @!p1 s20, s19;
	s20 =	sor.u32 @!p1 $0x800, s22;
	s22 =	simm.s32 @!p1 $0xC3800  }
0x37: {  	[tilespmem:s21], [sflag:$0x1] =	stream.strided.gather @!p1 [hbm4b:s19+s20], $0x2000, s22, s20, $0x38;
	[tilespmem:$0x8200] =	vst v63  }
0x38: {  	p1 =	seq.s32 s15, $0x0  }
0x39: {  	p2 =	sge.u32 @!p1 s15, s7  }
0x3a: {  	p1 =	por p1, p2  }
.Ltmp2:
0x3b: {  	_ = 	snop;
	(pc) =	sbr.rel @p1 .LBB1_5-.Ltmp2, $1  }
0x3c: {  	_ =	sdelay $0x3  }
0x3d: {  	s21 =	simm.s32 $0x0  }
0x3e: {  	s22 =	sand.u32 $0x1800, s21;
	s23 =	sand.u32 $0x380, s21  }
0x3f: {  	s19 =	sand.u32 $0x1, s15;
	s23 =	sor.u32 s23, s22  }
0x40: {  	_ =	swait.ge [sflag:s4], $0x2000;
	s20 =	sshll.u32 s19, $0xD;
	s22 =	sand.u32 $0x1B00, s23  }
0x41: {  	[sflag:s4] =	ssyncset.done $0x0;
	s21 =	sand.u32 $0x80, s21;
	s22 =	sadd.s32 s22, s20  }
0x42: {  	[sflag:s4] =	ssyncadd.s32 $0xFFFFE000;
	s25 =	sadd.s32 s21, s22  }
0x43: {  	v4 =	vld [tilespmem:s25+$0x400]  }
0x44: {  	s24 =	simm.s32 $0x1;
	v5 =	vld [tilespmem:s25+$0x0]  }
0x45: {  	s24 =	simm.s32 @!p0 $0x0;
	v6 =	vld [tilespmem:s25+$0x10]  }
0x46: {  	v0 =	vmov s20;
	s31 =	smul.u32 $0x8400, s24;
	v7 =	vld [tilespmem:s25+$0x20]  }
0x47: {  	v9 =	vld [tilespmem:s25+$0x30]  }
0x48: {  	s21 =	sshrl.u32 s31, $0x2;
	v10 =	vld [tilespmem:s25+$0x40]  }
0x49: {  	s21 =	sor.u32 $0x4000, s21;
	v11 =	vld [tilespmem:s25+$0x50]  }
0x4a: {  	v8 =	vld [tilespmem:s25+$0x60];
	s22 =	sadd.s32 $0x0, s21  }
0x4b: {  	v1 =	vld.idx.msk [tilespmem:v0+s23+$0x410 ss:$0x1], $0xffff;
	[tilespmem:s22+$0x1080 ss:$0x21] =	vst.msk $0xffff, v4  }
0x4c: {  	v2 =	vld.idx.msk [tilespmem:v0+s23+$0x420 ss:$0x1], $0xffff;
	[tilespmem:s22+$0x0 ss:$0x21] =	vst.msk $0xffff, v5  }
0x4d: {  	v3 =	vld.idx.msk [tilespmem:v0+s23+$0x430 ss:$0x1], $0xffff;
	[tilespmem:s22+$0x210 ss:$0x21] =	vst.msk $0xffff, v6  }
0x4e: {  	s19 =	smul.u32 $0x8400, s19;
	[tilespmem:s22+$0x420 ss:$0x21] =	vst.msk $0xffff, v7;
	v7 =	vld [tilespmem:s25+$0x70]  }
0x4f: {  	s26 =	simm.s32 $0x80;
	s27 =	simm.s32 $0x8;
	[tilespmem:s22+$0x630 ss:$0x21] =	vst.msk $0xffff, v9;
	v4 =	vld.idx.msk [tilespmem:v0+s23+$0x440 ss:$0x1], $0xffff  }
0x50: {  	s29 =	sand.u32 $0x380, s26;
	s19 =	sshrl.u32 s19, $0x2;
	[tilespmem:s22+$0x840 ss:$0x21] =	vst.msk $0xffff, v10;
	v5 =	vld.idx.msk [tilespmem:v0+s23+$0x450 ss:$0x1], $0xffff;
	s25 =	simm.s32 $0x100  }
0x51: {  	s24 =	simm.s32 $0x4;
	s19 =	sor.u32 $0x4000, s19;
	[tilespmem:s22+$0xA50 ss:$0x21] =	vst.msk $0xffff, v11;
	v6 =	vld.idx.msk [tilespmem:v0+s23+$0x460 ss:$0x1], $0xffff;
	s28 =	sand.u32 $0x1800, s25  }
.LBB1_3:
0x52: {  	p1 =	sne.s32 s27, $0x7C;
	[tilespmem:s22+$0xC60 ss:$0x21] =	vst.msk $0xffff, v8;
	v8 =	vld.idx.msk [tilespmem:v0+s23+$0x470 ss:$0x1], $0xffff;
	s23 =	sor.u32 s29, s28  }
0x53: {  	s28 =	sand.u32 $0x1B00, s23;
	v9 =	vld.idx.msk [tilespmem:v0+s23+$0x410 ss:$0x1], $0xffff;
	[tilespmem:s22+$0xE70 ss:$0x21] =	vst.msk $0xffff, v7  }
0x54: {  	s29 =	sand.u32 $0x80, s26;
	s28 =	sadd.s32 s28, s20;
	v7 =	vld.idx.msk [tilespmem:v0+s23+$0x420 ss:$0x1], $0xffff;
	[tilespmem:s22+$0x1290 ss:$0x21] =	vst.msk $0xffff, v1  }
0x55: {  	s28 =	sadd.s32 s29, s28;
	v10 =	vld.idx.msk [tilespmem:v0+s23+$0x430 ss:$0x1], $0xffff;
	[tilespmem:s22+$0x14A0 ss:$0x21] =	vst.msk $0xffff, v2  }
0x56: {  	v11 =	vld [tilespmem:s28+$0x400];
	[tilespmem:s22+$0x16B0 ss:$0x21] =	vst.msk $0xffff, v3  }
0x57: {  	v12 =	vld [tilespmem:s28+$0x0];
	[tilespmem:s22+$0x18C0 ss:$0x21] =	vst.msk $0xffff, v4  }
0x58: {  	v4 =	vld [tilespmem:s28+$0x10];
	[tilespmem:s22+$0x1AD0 ss:$0x21] =	vst.msk $0xffff, v5  }
0x59: {  	s29 =	sshra.s32 s24, $0x2;
	s24 =	smov.u32 s27;
	v1 =	vmov v9;
	v5 =	vld [tilespmem:s28+$0x20];
	[tilespmem:s22+$0x1CE0 ss:$0x21] =	vst.msk $0xffff, v6  }
0x5a: {  	v2 =	vmov v7;
	v6 =	vld [tilespmem:s28+$0x30];
	[tilespmem:s22+$0x1EF0 ss:$0x21] =	vst.msk $0xffff, v8;
	s22 =	sadd.s32 s29, s21  }
0x5b: {  	v3 =	vmov v10;
	v9 =	vld [tilespmem:s28+$0x40];
	[tilespmem:s22+$0x1080 ss:$0x21] =	vst.msk $0xffff, v11  }
0x5c: {  	[tilespmem:s22+$0x0 ss:$0x21] =	vst.msk $0xffff, v12;
	v10 =	vld [tilespmem:s28+$0x50]  }
.Ltmp3:
0x5d: {  	[tilespmem:s22+$0x210 ss:$0x21] =	vst.msk $0xffff, v4;
	v8 =	vld [tilespmem:s28+$0x60];
	(pc) =	sbr.rel @p1 .LBB1_3-.Ltmp3, $4  }
0x5e: {  	[tilespmem:s22+$0x420 ss:$0x21] =	vst.msk $0xffff, v5;
	v7 =	vld [tilespmem:s28+$0x70]  }
0x5f: {  	[tilespmem:s22+$0x630 ss:$0x21] =	vst.msk $0xffff, v6;
	v4 =	vld.idx.msk [tilespmem:v0+s23+$0x440 ss:$0x1], $0xffff  }
0x60: {  	s26 =	sadd.s32 $0x80, s26;
	s25 =	sadd.s32 $0x100, s25;
	[tilespmem:s22+$0x840 ss:$0x21] =	vst.msk $0xffff, v9;
	v5 =	vld.idx.msk [tilespmem:v0+s23+$0x450 ss:$0x1], $0xffff  }
0x61: {  	s27 =	sadd.s32 $0x4, s27;
	s29 =	sand.u32 $0x380, s26;
	s28 =	sand.u32 $0x1800, s25;
	[tilespmem:s22+$0xA50 ss:$0x21] =	vst.msk $0xffff, v10;
	v6 =	vld.idx.msk [tilespmem:v0+s23+$0x460 ss:$0x1], $0xffff  }
0x62: {  	_ =	sdelay $0x3  }
0x63: {  	s25 =	sor.u32 s29, s28;
	v47 =	vld.idx.msk [tilespmem:v0+s23+$0x470 ss:$0x1], $0xffff  }
0x64: {  	[tilespmem:s22+$0xC60 ss:$0x21] =	vst.msk $0xffff, v8;
	v57 =	vld.idx.msk [tilespmem:v0+s25+$0x410 ss:$0x1], $0xffff  }
0x65: {  	[tilespmem:s22+$0x1290 ss:$0x21] =	vst.msk $0xffff, v1;
	v58 =	vld.idx.msk [tilespmem:v0+s25+$0x420 ss:$0x1], $0xffff  }
0x66: {  	[tilespmem:s22+$0x14A0 ss:$0x21] =	vst.msk $0xffff, v2;
	v59 =	vld.idx.msk [tilespmem:v0+s25+$0x430 ss:$0x1], $0xffff  }
0x67: {  	[tilespmem:s22+$0x16B0 ss:$0x21] =	vst.msk $0xffff, v3;
	v60 =	vld.idx.msk [tilespmem:v0+s25+$0x440 ss:$0x1], $0xffff  }
0x68: {  	s26 =	sand.u32 $0x80, s26;
	s27 =	sand.u32 $0x1B00, s25;
	[tilespmem:s22+$0xE70 ss:$0x21] =	vst.msk $0xffff, v7;
	v61 =	vld.idx.msk [tilespmem:v0+s25+$0x450 ss:$0x1], $0xffff  }
0x69: {  	s29 =	sshll.u32 s10, $0x3;
	s24 =	sshra.s32 s24, $0x2;
	v62 =	vld.idx.msk [tilespmem:v0+s25+$0x460 ss:$0x1], $0xffff;
	s20 =	sadd.s32 s27, s20;
	[tilespmem:s22+$0x18C0 ss:$0x21] =	vst.msk $0xffff, v4  }
0x6a: {  	p1 =	sgt.s32 s11, $0x19;
	s31 =	sand.u32 $0xFFFFFC00, s29;
	v63 =	vld.idx.msk [tilespmem:v0+s25+$0x470 ss:$0x1], $0xffff;
	s23 =	sadd.s32 s26, s20;
	[tilespmem:s22+$0x1AD0 ss:$0x21] =	vst.msk $0xffff, v5  }
0x6b: {  	p2 =	sgt.s32 s10, $0x60;
	s29 =	sshra.s32 s11, $0x1F;
	s25 =	smul.u32 $0x186A00, s11;
	v48 =	vld [tilespmem:s23+$0x400];
	[tilespmem:s22+$0x1CE0 ss:$0x21] =	vst.msk $0xffff, v6  }
0x6c: {  	s26 =	sshll.u32 s9, $0x7;
	s20 =	sadd.s32 s24, s21;
	s24 =	sand.u32 s29, s11;
	v49 =	vld [tilespmem:s23+$0x0];
	[tilespmem:s22+$0x1EF0 ss:$0x21] =	vst.msk $0xffff, v47  }
0x6d: {  	s29 =	sshra.s32 s9, $0x1F;
	v50 =	vld [tilespmem:s23+$0x10];
	s30 =	sand.u32 $0xFFFFFC00, s26;
	s28 =	sand.u32 $0x380, s26;
	[tilespmem:s20+$0x1290 ss:$0x21] =	vst.msk $0xffff, v57  }
0x6e: {  	v51 =	vld [tilespmem:s23+$0x20];
	s27 =	sadd.s32 s31, s30;
	s22 =	smov.u32 s11;
	s31 =	sshra.s32 s10, $0x1F;
	[tilespmem:s20+$0x14A0 ss:$0x21] =	vst.msk $0xffff, v58  }
0x6f: {  	v52 =	vld [tilespmem:s23+$0x30];
	s21 =	sor.u32 s28, s27;
	s22 =	simm.s32 @!p1 $0x19;
	s28 =	sand.u32 s31, s10;
	[tilespmem:s20+$0x16B0 ss:$0x21] =	vst.msk $0xffff, v59  }
0x70: {  	v53 =	vld [tilespmem:s23+$0x40];
	s27 =	smov.u32 s9;
	[tilespmem:s20+$0x18C0 ss:$0x21] =	vst.msk $0xffff, v60;
	s21 =	sshrl.u32 s21, $0x7;
	s22 =	ssub.s32 s22, s24  }
0x71: {  	v54 =	vld [tilespmem:s23+$0x50];
	[tilespmem:s20+$0x1AD0 ss:$0x21] =	vst.msk $0xffff, v61;
	s24 =	smov.u32 s10;
	s26 =	smulhi.u32 $0x14F8B59, s21;
	s30 =	sadd.s32 $0xFFFFFFE7, s22  }
0x72: {  	v55 =	vld [tilespmem:s23+$0x60];
	[tilespmem:s20+$0x1CE0 ss:$0x21] =	vst.msk $0xffff, v62;
	s24 =	simm.s32 @!p2 $0x60;
	p2 =	sgt.s32 s9, $0x185A0;
	s22 =	ssub.s32 $0x1A, s22  }
0x73: {  	v56 =	vld [tilespmem:s23+$0x70];
	[tilespmem:s20+$0x1EF0 ss:$0x21] =	vst.msk $0xffff, v63;
	p1 =	sgt.s32 s30, $0x0;
	s23 =	ssub.s32 s24, s28;
	s27 =	simm.s32 @!p2 $0x185A0  }
0x74: {  	[tilespmem:s20+$0x1080 ss:$0x21] =	vst.msk $0xffff, v48;
	s24 =	sand.u32 s29, s9;
	s28 =	sand.u32 $0x7, s10;
	s26 =	sshrl.u32 s26, $0x9  }
0x75: {  	[tilespmem:s20+$0x0 ss:$0x21] =	vst.msk $0xffff, v49;
	s24 =	ssub.s32 s27, s24;
	s30 =	sadd.s32 $0xFFFFFFA0, s23;
	s22 =	simm.s32 @p1 $0x0  }
0x76: {  	[tilespmem:s20+$0x210 ss:$0x21] =	vst.msk $0xffff, v50;
	s23 =	ssub.s32 $0x80, s23;
	s27 =	sshrl.u32 s10, $0x3;
	p1 =	sgt.s32 s30, $0x1F  }
0x77: {  	[tilespmem:s20+$0x420 ss:$0x21] =	vst.msk $0xffff, v51;
	s26 =	smul.u32 $0x186A0, s26;
	s31 =	sadd.s32 $0xFFFE7A60, s24;
	s23 =	simm.s32 @p1 $0x0  }
0x78: {  	[tilespmem:s20+$0x630 ss:$0x21] =	vst.msk $0xffff, v52;
	s24 =	ssub.s32 $0x186A0, s24;
	p1 =	sgt.s32 s31, $0xFF;
	s22 =	smul.u32 s22, s23  }
.Ltmp4:
0x79: {  	[tilespmem:s20+$0x840 ss:$0x21] =	vst.msk $0xffff, v53;
	s24 =	simm.s32 @p1 $0x0;
	s21 =	ssub.s32 s21, s26;
	(pc) =	sbr.rel .LBB1_5-.Ltmp4, $4  }
0x7a: {  	[tilespmem:s20+$0xA50 ss:$0x21] =	vst.msk $0xffff, v54;
	s23 =	sadd.s32 s5, s25;
	s22 =	smul.u32 s24, s22;
	s24 =	sand.u32 $0xF, s27  }
0x7b: {  	[tilespmem:s20+$0xC60 ss:$0x21] =	vst.msk $0xffff, v55;
	s29 =	sshll.u32 s28, $0x12;
	s21 =	sshll.u32 s21, $0x4;
	s23 =	sadd.s32 s24, s23  }
0x7c: {  	[tilespmem:s20+$0xE70 ss:$0x21] =	vst.msk $0xffff, v56;
	s31 =	sor.u32 $0x20, s29;
	s30 =	sand.u32 $0x3FFFFFFF, s22;
	s21 =	sadd.s32 s21, s23  }
0x7d: {  	[hbm4b:s21+s31] =	stream.strided.scatter [tilespmem:s19], [sflag:$0x2], s30, s8, s31, $0x10;
	[tilespmem:$0x8200] =	vst v63  }
.LBB1_6:
0x7e: {  	_ =	sfence.sel $0x180000  }
0x7f: {  	s2 =	simm.s32 $0x1;
	[bflag:$0x0] =	sbarrier.arrive $0xFFFF  }
0x80: {  	s31 =	simm.s32 $0x2;
	[sflag:s2] =	ssyncpa.u1 $0x1  }
0x81: {  	[sflag:s31] =	ssyncpa.u1 $0x1  }
0x82: {  	p0 =	sne.s32 s0, $0x0;
	_ =	strace $0x90000047  }
0x83: {  	s0 =	sadd.s32 @!p0 $0x100000, s1;
	[bflag:$0x2] =	sbarrier.arrive $0xFFFF  }
0x84: {  	[sflag:s0] =	ssyncadd.tile.s32 @!p0 $0x1;
	_ =	shalt  }
.Lfunc_end1:
_tile_overlayer_lowered:
.L_overlay_start_2:
0x85: {  	(tag) =	ssettag $0x2  }
0x86: {  	s0 =	rddreg [dreg:$0x0];
	s2 =	stileid.u32  }
0x87: {  	s1 =	rddreg [dreg:$0x1];
	p0 =	sne.s32 s2, $0x0  }
0x88: {  	s3 =	rddreg [dreg:$0x2];
	[bflag:$0x3] =	sbarrier.arrive $0xFFFF;
	s2 =	simm.s32 @!p0 $0x1C01  }
0x89: {  	[timem:s3], [sflag:s2] =	dma.local @!p0 [hbm:s0], s1  }
0x8a: {  	s0 =	simm.s32 @!p0 $0x1  }
0x8b: {  	_ =	swait.ge @!p0 [sflag:s0], s1  }
0x8c: {  	s1 =	ssub.s32 @!p0 $0x0, s1;
	[sflag:s0] =	ssyncset.done @!p0 $0x0  }
0x8d: {  	[sflag:s0] =	ssyncadd.s32 @!p0 s1  }
0x8e: {  	[bflag:$0x3] =	sbarrier.arrive $0xFFFF  }
0x8f: {  	_ =	shalt  }

// kernel: sparse-core-data-format-call.cloned.1.call-start
scs
called_computation_lowered:
.L_overlay_start_0:
0x0: {  	s2 =	sld [smem:$0x3FD9]  }
0x1: {  	s3 =	sld [smem:$0x3FFE];
	_ =	sdelay $0x1  }
0x2: {  	s1 =	srdreg.scid  }
0x3: {  	s0 =	sand.u32 $0x1, s1  }
0x4: {  	s18 =	sshll.u32 s0, $0xA;
	s2 =	sadd.s32 s3, s2  }
0x5: {  	s2 =	sadd.s32 s2, s18  }
0x6: {  	[smem:$0x3FC6] =	sst s2  }
0x7: {  	_ = 	snop  }
0x8: {  	s2 =	sld [smem:$0x3FD0];
	(tm) =	ssettm $0x1  }
0x9: {  	s19 =	sld [smem:$0x3FFB];
	_ =	sdelay $0x3  }
0xa: {  	_ =	strace s19  }
0xb: {  	s3 =	sld [smem:$0x3FFC];
	_ =	sdelay $0x3  }
0xc: {  	_ =	strace s3  }
0xd: {  	s3 =	sld [smem:$0x3FFD];
	_ =	sdelay $0x3  }
0xe: {  	_ =	strace s3  }
0xf: {  	_ =	strace $0x8FFFFFFF  }
0x10: {  	s20 =	sld [smem:$0x3FDB];
	_ =	sdelay $0x1  }
0x11: {  	s4 =	simm.s32 $_scs_section_size  }
0x12: {  	s5 =	simm.s32 $_size__tile_overlayer_lowered;
	s6 =	simm.s32 $_tile_overlayer_lowered  }
0x13: {  	s23 =	simm.s32 $0x1BFF;
	s22 =	sshll.u32 s6, $0x1;
	s3 =	sadd.s32 s4, s20  }
0x14: {  	s7 =	simm.s32 $0x0;
	s21 =	sshll.u32 s5, $0x1;
	s5 =	sadd.s32 s22, s3  }
0x15: {  	[timem:s7], [sflag:s23] =	dma.local [hbm:s5], s21  }
0x16: {  	_ =	swait.ge [sflag:s23], s21  }
0x17: {  	s4 =	ssub.s32 $0x0, s21;
	[sflag:s23] =	ssyncset.done $0x0  }
0x18: {  	[sflag:s23] =	ssyncadd.s32 s4;
	_ =	sdelay $0x1  }
0x19: {  	s24 =	simm.s32 $0x1B8B  }
0x1a: {  	_ =	swait.ge [sflag:s24], $0x1  }
0x1b: {  	[sflag:s24] =	ssyncset.done $0x0  }
0x1c: {  	s26 =	simm.s32 $0x1B8E;
	s25 =	sld [smem:$0x3FFE];
	[sflag:s24] =	ssyncadd.s32 $0xFFFFFFFF  }
0x1d: {  	s27 =	simm.s32 $execute0_lowered;
	[smem:$0x3FD2] =	sst s26  }
0x1e: {  	s5 =	sshll.u32 s27, $0x1;
	_ =	strace $0x8000004C;
	[dreg:$0x1] =	wrdreg $0xFFFFFFFF  }
0x1f: {  	s28 =	simm.s32 $_size_execute0_lowered;
	s3 =	sadd.s32 s3, s5;
	[dreg:$0x0] =	wrdreg $0x0  }
0x20: {  	s5 =	sshll.u32 s28, $0x1;
	[dreg:$0x2] =	wrdreg s3  }
0x21: {  	[dreg:$0x3] =	wrdreg s5  }
0x22: {  	[dreg:$0x4] =	wrdreg $0xC0  }
0x23: {  	_ =	task [dreg:s7], $0x5FFFF  }
0x24: {  	[dreg:$0x1] =	wrdreg $0xFFFFFFFF  }
0x25: {  	[dreg:$0x0] =	wrdreg $0x60  }
0x26: {  	[dreg:$0x2] =	wrdreg s25  }
0x27: {  	[dreg:$0x3] =	wrdreg s2  }
0x28: {  	[dreg:$0x4] =	wrdreg $0x9  }
0x29: {  	_ =	task.clear_ibuf [dreg:s7], $0x5FFFF;
	_ =	strace $0x9000004C  }
0x2a: {  	s29 =	simm.s32 $0x9;
	_ =	strace $0x8000004E  }
0x2b: {  	_ =	swait.ge [sflag:s29], $0x1  }
0x2c: {  	[sflag:s29] =	ssyncadd.s32 $0xFFFFFFFF  }
0x2d: {  	_ =	strace $0x9000004E  }
0x2e: {  	_ =	sfence  }
0x2f: {  	s30 =	sld [smem:$0x0];
	_ =	sdelay $0x2  }
0x30: {  	s31 =	sshll.u32 s1, $0xD;
	s1 =	sshrl.u32 s1, $0x2  }
0x31: {  	s3 =	sand.u32 $0x4000, s31;
	s1 =	sadd.s32 s1, s30  }
0x32: {  	s0 =	sor.u32 s3, s0;
	s1 =	sshll.u32 s1, $0x11  }
0x33: {  	s0 =	sor.u32 s1, s0  }
0x34: {  	s0 =	sadd.s32 $0x8F2B, s0  }
0x35: {  	[sflag:s0] =	ssyncadd.remote.s32 $0x1  }
0x36: {  	_ =	sfence.sel $0xFFFF  }
0x37: {  	[dreg:$0x0] =	wrdreg $0xFFFFFFFF;
	(pc) =	sbr.abs _section_cstart, $3  }
0x38: {  	[dreg:$0x1] =	wrdreg $0xFFFFFFFF  }
0x39: {  	_ =	task.clear_ibuf [dreg:s7], $0x2FFFF;
	_ =	strace $0x9FFFFFFF  }
0x3a: {  	(tm) =	ssettm $0x7FFFFFFF  }
0x3b: {  	_ =	shalt  }
tec
execute0_lowered:
.L_overlay_start_1:
0x0: {  	(tag) =	ssettag $0x1  }
0x1: {  	s0 =	srdreg.scid  }
0x2: {  	s1 =	sshll.u32 s0, $0x4  }
0x3: {  	s6 =	rddreg [dreg:$0x0];
	s0 =	stileid.u32;
	s1 =	sand.u32 $0x10, s1  }
0x4: {  	s3 =	rddreg [dreg:$0x1];
	s1 =	sor.u32 s0, s1  }
0x5: {  	s5 =	simm.s32 $0x1;
	s31 =	simm.s32 $0x2;
	s2 =	sshll.u32 s1, $0x7  }
0x6: {  	s15 =	simm.s32 $0x0;
	s8 =	simm.s32 $0x20000;
	s4 =	ssub.s32 $0x4000, s2  }
0x7: {  	s14 =	simm.s32 $0x0;
	s9 =	simm.s32 $0x0;
	s30 =	sand.u32 $0xF80, s4  }
0x8: {  	s10 =	simm.s32 $0x0;
	s11 =	simm.s32 $0x0;
	p0 =	sne.s32 s30, $0x0  }
.Ltmp0:
0x9: {  	s7 =	sshrl.u32 s4, $0xC;
	s5 =	simm.s32 @!p0 $0x0;
	(pc) =	sbr.rel .LBB1_1-.Ltmp0, $4  }
0xa: {  	s13 =	simm.s32 $0x0;
	s1 =	rddreg [dreg:$0x2];
	s5 =	sadd.s32 s5, s7  }
0xb: {  	_ =	strace $0x8000004D;
	s4 =	simm.s32 $0x1;
	s5 =	smul.u32 $0x7, s5  }
0xc: {  	s6 =	sadd.s32 $0xE00, s6;
	s12 =	smov.u32 s2;
	[sflag:s4] =	ssyncpa.u1 $0x0  }
0xd: {  	[sflag:s31] =	ssyncpa.u1 $0x0;
	p0 =	por $0x0, $0x0;
	s7 =	sadd.s32 $0x1, s5  }
.LBB1_4:
0xe: {  	s20 =	sshra.s32 s20, $0x2  }
0xf: {  	s28 =	sand.u32 $0x78, s10;
	s21 =	sshll.u32 s9, $0xE;
	s22 =	sshll.u32 s10, $0x3  }
0x10: {  	s24 =	sshll.u32 s9, $0x7;
	p1 =	sgt.s32 s9, $0x2C0;
	s30 =	sshra.s32 s9, $0x1F  }
0x11: {  	s26 =	sshra.s32 s10, $0x1F;
	s19 =	sadd.s32 s20, s19;
	s21 =	sand.u32 $0xFFFE0000, s21  }
0x12: {  	v5 =	vld [tilespmem:s17+$0xFFFFFFD0];
	[tilespmem:s18+$0x2040 ss:$0x81] =	vst.msk $0xffff, v4;
	s23 =	sand.u32 $0xFFFFFC00, s22;
	s29 =	sand.u32 $0x380, s24;
	s22 =	sand.u32 $0x3C00, s22  }
0x13: {  	v58 =	vld [tilespmem:s17+$0xFFFFFFE0];
	[tilespmem:s18+$0x2850 ss:$0x81] =	vst.msk $0xffff, v3;
	s21 =	sadd.s32 s23, s21;
	s20 =	sor.u32 s28, s22;
	s22 =	smov.u32 s9  }
0x14: {  	v59 =	vld [tilespmem:s17+$0xFFFFFFF0];
	[tilespmem:s18+$0x3060 ss:$0x81] =	vst.msk $0xffff, v2;
	s24 =	sand.u32 s30, s9;
	s21 =	sshrl.u32 s21, $0xE;
	s22 =	simm.s32 @!p1 $0x2C0  }
0x15: {  	v60 =	vld [tilespmem:s17+$0x0];
	[tilespmem:s18+$0x0 ss:$0x81] =	vst.msk $0xffff, v1;
	p1 =	sgt.s32 s10, $0x3F80;
	s31 =	ssub.s32 s22, s24;
	s22 =	smov.u32 s10  }
0x16: {  	v61 =	vld [tilespmem:s17+$0x10];
	[tilespmem:s19+$0x3870 ss:$0x81] =	vst.msk $0xffff, v0;
	s25 =	smulhi.u32 $0x4EC4ED, s21;
	s24 =	sand.u32 s26, s10;
	s22 =	simm.s32 @!p1 $0x3F80  }
0x17: {  	v62 =	vld [tilespmem:s17+$0x20];
	s20 =	sor.u32 s29, s20;
	[tilespmem:s19+$0x810 ss:$0x81] =	vst.msk $0xffff, v5;
	s27 =	sadd.s32 $0xFFFFFD40, s31;
	s22 =	ssub.s32 s22, s24  }
0x18: {  	v63 =	vld [tilespmem:s17+$0xFFFFFFC0];
	[tilespmem:s19+$0x1020 ss:$0x81] =	vst.msk $0xffff, v58;
	s18 =	ssub.s32 $0x340, s31;
	s28 =	smul.u32 $0x340, s25;
	s29 =	sadd.s32 $0xFFFFC080, s22  }
0x19: {  	[tilespmem:s19+$0x1830 ss:$0x81] =	vst.msk $0xffff, v59;
	p1 =	sgt.s32 s27, $0x7F;
	s22 =	ssub.s32 $0x4000, s22;
	p2 =	sgt.s32 s29, $0x7F  }
0x1a: {  	s30 =	sand.u32 $0x7, s10;
	[tilespmem:s19+$0x2040 ss:$0x81] =	vst.msk $0xffff, v60;
	s18 =	simm.s32 @p1 $0x0;
	s22 =	simm.s32 @p2 $0x0  }
0x1b: {  	s20 =	sshrl.u32 s20, $0x3;
	[tilespmem:s19+$0x2850 ss:$0x81] =	vst.msk $0xffff, v61;
	s17 =	ssub.s32 s21, s28;
	s18 =	smul.u32 s22, s18  }
0x1c: {  	[tilespmem:s19+$0x3060 ss:$0x81] =	vst.msk $0xffff, v62;
	s20 =	sadd.s32 s3, s20;
	s21 =	sshll.u32 s30, $0x12;
	s17 =	sshll.u32 s17, $0xB  }
0x1d: {  	[tilespmem:s19+$0x0 ss:$0x81] =	vst.msk $0xffff, v63;
	s31 =	sor.u32 $0x400, s21;
	s17 =	sadd.s32 s17, s20;
	s18 =	sand.u32 $0x3FFFFFFF, s18  }
0x1e: {  	[hbm4b:s17+s31] =	stream.strided.scatter [tilespmem:s16], [sflag:$0x2], s18, s8, s31, $0x20;
	[tilespmem:$0x10100] =	vst v63  }
.LBB1_5:
0x1f: {  	p1 =	slt.u32 s13, $0x2  }
0x20: {  	s17 =	smov.u32 s15;
	p2 =	sgt.s32 @!p1 s15, $0x2C0;
	s16 =	sshra.s32 @!p1 s15, $0x1F  }
0x21: {  	p3 =	sgt.s32 @!p1 s14, $0x3F80;
	s18 =	sshra.s32 @!p1 s14, $0x1F;
	p2 =	por !p2, p1  }
0x22: {  	s15 =	sand.u32 @!p1 s16, s15;
	p3 =	por !p3, p1;
	s16 =	smov.u32 s14  }
0x23: {  	s14 =	sand.u32 @!p1 s18, s14;
	s17 =	simm.s32 @p2 $0x2C0;
	s16 =	simm.s32 @p3 $0x3F80  }
0x24: {  	s15 =	ssub.s32 @!p1 s17, s15;
	s14 =	ssub.s32 @!p1 s16, s14  }
0x25: {  	s18 =	smov.u32 s12;
	s16 =	sadd.s32 @!p1 $0xFFFFFD40, s15;
	s17 =	sadd.s32 @!p1 $0xFFFFC080, s14  }
0x26: {  	s15 =	ssub.s32 @!p1 $0x340, s15;
	p2 =	sgt.s32 @!p1 s16, $0x7F;
	p3 =	sgt.s32 @!p1 s17, $0x7F  }
0x27: {  	s14 =	ssub.s32 @!p1 $0x4000, s14;
	p2 =	por !p2, p1;
	p3 =	por !p3, p1  }
0x28: {  	s16 =	sadd.s32 $0x80, s11;
	s15 =	simm.s32 @!p2 $0x0;
	s14 =	simm.s32 @!p3 $0x0  }
0x29: {  	p2 =	sgt.s32 s16, $0x33F;
	s14 =	smul.u32 @!p1 s14, s15;
	s15 =	sadd.s32 $0x1000, s12  }
0x2a: {  	s18 =	smov.u32 @p2 s15  }
0x2b: {  	s16 =	simm.s32 @p2 $0x0;
	p2 =	sgt.s32 s18, $0x3FFF  }
0x2c: {  	s18 =	smov.u32 @p2 s2;
	p2 =	sne.s32 s13, s7  }
.Ltmp1:
0x2d: {  	p0 =	por !p0, !p0;
	s17 =	simm.s32 @!p1 $0x2;
	(pc) =	sbr.rel @!p2 .LBB1_6-.Ltmp1, $4  }
0x2e: {  	s15 =	smov.u32 s9;
	s9 =	smov.u32 s11;
	s14 =	sand.u32 @!p1 $0x3FFFFFFF, s14  }
0x2f: {  	s11 =	smov.u32 s16;
	_ =	swait.ge @!p1 [sflag:s17], s14;
	s19 =	ssub.s32 @!p1 $0x0, s14  }
0x30: {  	s14 =	smov.u32 s10;
	s13 =	sadd.s32 $0x1, s13;
	[sflag:s17] =	ssyncset.done @!p1 $0x0  }
0x31: {  	s10 =	smov.u32 s12;
	s12 =	smov.u32 s18;
	[sflag:s17] =	ssyncadd.s32 @!p1 s19  }
.LBB1_1:
0x32: {  	p1 =	sge.u32 s13, s5  }
0x33: {  	s16 =	sshrl.u32 @!p1 s12, $0x3  }
0x34: {  	s17 =	sshll.u32 @!p1 s11, $0x3;
	s16 =	smul.u32 @!p1 $0x1C00, s16  }
0x35: {  	s18 =	sshll.u32 @!p1 s12, $0x7;
	s17 =	sand.u32 @!p1 $0xFFFFFC00, s17  }
0x36: {  	s16 =	sadd.s32 @!p1 s16, s17;
	s17 =	sand.u32 @!p1 $0x380, s18  }
0x37: {  	s16 =	sor.u32 @!p1 s17, s16  }
0x38: {  	s17 =	sshrl.u32 @!p1 s16, $0x7  }
0x39: {  	s17 =	smulhi.u32 @!p1 $0x24924925, s17;
	_ =	sdelay $0x1  }
0x3a: {  	s18 =	sand.u32 @!p1 $0x7F, s11;
	s19 =	smul.u32 @!p1 $0x380, s17  }
0x3b: {  	s31 =	sadd.s32 $0xFFFFFFFF, s13;
	s16 =	sor.u32 @!p1 s18, s16;
	s18 =	sxor.u32 @!p1 $0xFFFFFFFF, s13  }
0x3c: {  	s18 =	sshll.u32 @!p1 s18, $0xE;
	s17 =	sand.u32 @!p1 $0x3FFF, s17;
	s16 =	ssub.s32 @!p1 s16, s19  }
0x3d: {  	s17 =	smul.u32 @!p1 $0x70, s17;
	s19 =	sshrl.u32 @!p1 s16, $0x3;
	s16 =	sand.u32 @!p1 $0x7, s16  }
0x3e: {  	s18 =	sand.u32 @!p1 $0x4000, s18;
	s19 =	sadd.s32 @!p1 s6, s19;
	s16 =	sshll.u32 @!p1 s16, $0x12  }
0x3f: {  	s17 =	sadd.s32 @!p1 s17, s19;
	s16 =	sor.u32 @!p1 $0x400, s16;
	s19 =	simm.s32 @!p1 $0x1C00  }
0x40: {  	[tilespmem:s18], [sflag:$0x1] =	stream.strided.gather @!p1 [hbm4b:s17+s16], $0x4000, s19, s16, $0x38;
	[tilespmem:$0x10100] =	vst v63  }
0x41: {  	p1 =	sge.u32 s31, s5  }
.Ltmp2:
0x42: {  	_ = 	snop;
	(pc) =	sbr.rel @p1 .LBB1_5-.Ltmp2, $1  }
0x43: {  	_ =	sdelay $0x3  }
0x44: {  	s16 =	simm.s32 $0x1  }
0x45: {  	_ =	swait.ge [sflag:s4], $0x4000;
	s16 =	simm.s32 @!p0 $0x0  }
0x46: {  	[sflag:s4] =	ssyncset.done $0x0;
	s17 =	sshll.u32 s16, $0xE  }
0x47: {  	[sflag:s4] =	ssyncadd.s32 $0xFFFFC000;
	s17 =	sor.u32 $0x40, s17  }
0x48: {  	s16 =	smul.u32 $0x10200, s16;
	v0 =	vld [tilespmem:s17+$0x30]  }
0x49: {  	v1 =	vld [tilespmem:s17+$0xFFFFFFD0]  }
0x4a: {  	s16 =	sshrl.u32 s16, $0x2;
	v5 =	vld [tilespmem:s17+$0xFFFFFFE0]  }
0x4b: {  	v6 =	vld [tilespmem:s17+$0xFFFFFFF0];
	s19 =	sor.u32 $0x8000, s16  }
0x4c: {  	s31 =	sand.u32 $0x1, s13;
	v4 =	vld [tilespmem:s17+$0x0];
	s18 =	sadd.s32 $0x0, s19  }
0x4d: {  	v3 =	vld [tilespmem:s17+$0x10];
	s16 =	smul.u32 $0x10200, s31;
	[tilespmem:s18+$0x3870 ss:$0x81] =	vst.msk $0xffff, v0  }
0x4e: {  	v2 =	vld [tilespmem:s17+$0x20];
	[tilespmem:s18+$0x810 ss:$0x81] =	vst.msk $0xffff, v1  }
0x4f: {  	s16 =	sshrl.u32 s16, $0x2;
	v1 =	vld [tilespmem:s17+$0xFFFFFFC0];
	[tilespmem:s18+$0x1020 ss:$0x81] =	vst.msk $0xffff, v5;
	s17 =	sadd.s32 $0x80, s17  }
0x50: {  	s20 =	simm.s32 $0x4;
	s21 =	simm.s32 $0x8;
	s16 =	sor.u32 $0x8000, s16;
	[tilespmem:s18+$0x1830 ss:$0x81] =	vst.msk $0xffff, v6;
	v0 =	vld [tilespmem:s17+$0x30]  }
.LBB1_3:
0x51: {  	p1 =	sne.s32 s21, $0x1FC;
	v5 =	vld [tilespmem:s17+$0xFFFFFFD0];
	[tilespmem:s18+$0x2040 ss:$0x81] =	vst.msk $0xffff, v4  }
0x52: {  	v6 =	vld [tilespmem:s17+$0xFFFFFFE0];
	[tilespmem:s18+$0x2850 ss:$0x81] =	vst.msk $0xffff, v3  }
0x53: {  	s22 =	sshra.s32 s20, $0x2;
	s20 =	smov.u32 s21;
	v7 =	vld [tilespmem:s17+$0xFFFFFFF0];
	[tilespmem:s18+$0x3060 ss:$0x81] =	vst.msk $0xffff, v2  }
.Ltmp3:
0x54: {  	v4 =	vld [tilespmem:s17+$0x0];
	[tilespmem:s18+$0x0 ss:$0x81] =	vst.msk $0xffff, v1;
	s18 =	sadd.s32 s22, s19;
	(pc) =	sbr.rel @p1 .LBB1_3-.Ltmp3, $4  }
0x55: {  	v3 =	vld [tilespmem:s17+$0x10];
	[tilespmem:s18+$0x3870 ss:$0x81] =	vst.msk $0xffff, v0  }
0x56: {  	[tilespmem:s18+$0x810 ss:$0x81] =	vst.msk $0xffff, v5;
	v2 =	vld [tilespmem:s17+$0x20]  }
0x57: {  	v1 =	vld [tilespmem:s17+$0xFFFFFFC0];
	[tilespmem:s18+$0x1020 ss:$0x81] =	vst.msk $0xffff, v6;
	s17 =	sadd.s32 $0x80, s17  }
0x58: {  	s21 =	sadd.s32 $0x4, s21;
	v0 =	vld [tilespmem:s17+$0x30];
	[tilespmem:s18+$0x1830 ss:$0x81] =	vst.msk $0xffff, v7  }
.Ltmp4:
0x59: {  	_ = 	snop;
	(pc) =	sbr.rel .LBB1_4-.Ltmp4, $1  }
0x5a: {  	_ =	sdelay $0x3  }
.LBB1_6:
0x5b: {  	_ =	sfence.sel $0x180000  }
0x5c: {  	s2 =	simm.s32 $0x1;
	[bflag:$0x0] =	sbarrier.arrive $0xFFFF  }
0x5d: {  	s31 =	simm.s32 $0x2;
	[sflag:s2] =	ssyncpa.u1 $0x1  }
0x5e: {  	[sflag:s31] =	ssyncpa.u1 $0x1  }
0x5f: {  	p0 =	sne.s32 s0, $0x0;
	_ =	strace $0x9000004D  }
0x60: {  	s0 =	sadd.s32 @!p0 $0x100000, s1;
	[bflag:$0x2] =	sbarrier.arrive $0xFFFF  }
0x61: {  	[sflag:s0] =	ssyncadd.tile.s32 @!p0 $0x1;
	_ =	shalt  }
.Lfunc_end1:
_tile_overlayer_lowered:
.L_overlay_start_2:
0x62: {  	(tag) =	ssettag $0x2  }
0x63: {  	s0 =	rddreg [dreg:$0x0];
	s2 =	stileid.u32  }
0x64: {  	s1 =	rddreg [dreg:$0x1];
	p0 =	sne.s32 s2, $0x0  }
0x65: {  	s3 =	rddreg [dreg:$0x2];
	[bflag:$0x3] =	sbarrier.arrive $0xFFFF;
	s2 =	simm.s32 @!p0 $0x1C01  }
0x66: {  	[timem:s3], [sflag:s2] =	dma.local @!p0 [hbm:s0], s1  }
0x67: {  	s0 =	simm.s32 @!p0 $0x1  }
0x68: {  	_ =	swait.ge @!p0 [sflag:s0], s1  }
0x69: {  	s1 =	ssub.s32 @!p0 $0x0, s1;
	[sflag:s0] =	ssyncset.done @!p0 $0x0  }
0x6a: {  	[sflag:s0] =	ssyncadd.s32 @!p0 s1  }
0x6b: {  	[bflag:$0x3] =	sbarrier.arrive $0xFFFF  }
0x6c: {  	_ =	shalt  }

</sc_bundles>
